<compile_context>
chip_gen: v7x
topology: tpu7x:2x2x1
jax: 0.10.2.dev20260603
libtpu: 0.0.44.dev20260713+nightly
codegen_flags: <defaults>
</compile_context>

<pallas_src>
import functools

import jax
import jax.numpy as jnp
from jax import lax
from jax.experimental import pallas as pl
from jax.experimental.pallas import tpu as pltpu
from jax.experimental.pallas import tpu_sc as plsc

_N, _D, _H, _O, _E, _K = 2048, 1024, 1024, 1024, 8, 2
_S = _N * _K
_T = 512
_NT = -(-(_S + _E * (_T - 1)) // _T)
_PAD = _NT * _T
_EP = 128

_NC, _NS = 2, 16
_NW = _NC * _NS
_TOKW = _N // _NW
_CCH = 16


def _gating_body(x_ref, wg_ref, idx_ref, g_ref, loss_ref, xi_ref):
    x = x_ref[...]
    xb = x.astype(jnp.bfloat16)
    lo = lax.convert_element_type(
        lax.bitcast_convert_type(xb[:, : _D // 2], jnp.uint16), jnp.uint32)
    hi = lax.convert_element_type(
        lax.bitcast_convert_type(xb[:, _D // 2:], jnp.uint16), jnp.uint32)
    xi_ref[...] = lax.bitcast_convert_type((hi << 16) | lo, jnp.int32)
    wg = wg_ref[...]
    logits = jnp.dot(x, wg, preferred_element_type=jnp.float32)
    lane = lax.broadcasted_iota(jnp.int32, (_N, _EP), 1)
    neg = jnp.float32(-jnp.inf)
    logits = jnp.where(lane < _E, logits, neg)
    m1 = jnp.max(logits, axis=1, keepdims=True)
    i1 = jnp.min(jnp.where(logits == m1, lane, _EP), axis=1, keepdims=True)
    masked = jnp.where(lane == i1, neg, logits)
    m2 = jnp.max(masked, axis=1, keepdims=True)
    i2 = jnp.min(jnp.where(masked == m2, lane, _EP), axis=1, keepdims=True)
    t = jnp.exp(m2 - m1)
    g1 = 1.0 / (1.0 + t)
    g2 = t / (1.0 + t)
    gates = jnp.where(lane == i1, g1, 0.0) + jnp.where(lane == i2, g2, 0.0)
    gates = jnp.where(lane < _E, gates, 0.0)
    idx_ref[...] = jnp.where(lane == 0, i1, jnp.where(lane == 1, i2, 0))
    g_ref[...] = jnp.where(lane == 0, g1, jnp.where(lane == 1, g2, 0.0))
    emask = (lane[:1] < _E).astype(jnp.float32)
    imp = jnp.sum(gates, axis=0, keepdims=True)
    load = jnp.sum((gates > 0).astype(jnp.float32), axis=0, keepdims=True)

    def cv2(v):
        m = jnp.sum(v * emask) / _E
        var = jnp.sum((v - m) ** 2 * emask) / (_E - 1)
        return var / (m * m + 1e-10)

    loss = (cv2(imp) + cv2(load)) * 0.01
    loss_ref[...] = jnp.full((8, 128), loss, dtype=jnp.float32)


def _gating_call(x, wg_pad, interpret=False):
    return pl.pallas_call(
        _gating_body,
        out_shape=(
            jax.ShapeDtypeStruct((_N, _EP), jnp.int32),
            jax.ShapeDtypeStruct((_N, _EP), jnp.float32),
            jax.ShapeDtypeStruct((8, 128), jnp.float32),
            jax.ShapeDtypeStruct((_N, _D // 2), jnp.int32),
        ),
        interpret=interpret,
    )(x, wg_pad)


def _gmm_body(meta_ref, xs_ref, w1_ref, b1_ref, w2_ref, b2_ref, out_ref,
              w1b_ref, w2b_ref):
    t = pl.program_id(0)
    valid = meta_ref[2, t] == 1
    prev = jnp.maximum(t - 1, 0)
    changed = jnp.logical_or(t == 0, meta_ref[0, t] != meta_ref[0, prev])

    @pl.when(jnp.logical_and(valid, changed))
    def _():
        w1b_ref[...] = w1_ref[0].astype(jnp.bfloat16)
        w2b_ref[...] = w2_ref[0].astype(jnp.bfloat16)

    @pl.when(valid)
    def _():
        v = lax.bitcast_convert_type(xs_ref[...], jnp.uint32)
        lo = lax.bitcast_convert_type(
            lax.convert_element_type(v & 0xFFFF, jnp.uint16), jnp.bfloat16)
        hi = lax.bitcast_convert_type(
            lax.convert_element_type(v >> 16, jnp.uint16), jnp.bfloat16)
        xk = jnp.concatenate([lo, hi], axis=1)
        h = jnp.dot(xk, w1b_ref[...], preferred_element_type=jnp.float32)
        h = jnp.maximum(h + b1_ref[0], 0.0).astype(jnp.bfloat16)
        o = jnp.dot(h, w2b_ref[...], preferred_element_type=jnp.float32)
        out_ref[...] = o + b2_ref[0]


def _gmm_call(meta, xs, w1, b1, w2, b2, interpret=False):
    grid_spec = pltpu.PrefetchScalarGridSpec(
        num_scalar_prefetch=1,
        grid=(_NT,),
        in_specs=[
            pl.BlockSpec((_T, _D // 2), lambda t, m: (m[1, t], 0)),
            pl.BlockSpec((1, _D, _H), lambda t, m: (m[0, t], 0, 0)),
            pl.BlockSpec((1, 1, _H), lambda t, m: (m[0, t], 0, 0)),
            pl.BlockSpec((1, _H, _O), lambda t, m: (m[0, t], 0, 0)),
            pl.BlockSpec((1, 1, _O), lambda t, m: (m[0, t], 0, 0)),
        ],
        out_specs=pl.BlockSpec((_T, _O), lambda t, m: (m[1, t], 0)),
        scratch_shapes=[
            pltpu.VMEM((_D, _H), jnp.bfloat16),
            pltpu.VMEM((_H, _O), jnp.bfloat16),
        ],
    )
    return pl.pallas_call(
        _gmm_body,
        grid_spec=grid_spec,
        out_shape=jax.ShapeDtypeStruct((_PAD, _O), jnp.float32),
        interpret=interpret,
    )(meta, xs, w1, b1, w2, b2)


@functools.lru_cache(maxsize=None)
def _sc_kernels():
    mesh = plsc.VectorSubcoreMesh(core_axis_name="c", subcore_axis_name="s")

    @functools.partial(
        pl.kernel,
        out_type=jax.ShapeDtypeStruct((_PAD, _D // 2), jnp.int32),
        mesh=mesh,
        scratch_types=[
            pltpu.VMEM((_TOKW, _D // 2), jnp.int32),
            pltpu.VMEM((_K, _TOKW), jnp.int32),
            pltpu.SemaphoreType.DMA,
            pltpu.SemaphoreType.DMA,
        ],
    )
    def _sc_dispatch(xi_hbm, posw_hbm, out_hbm, xloc, idxs, s0, s1):
        wid = lax.axis_index("s") * _NC + lax.axis_index("c")
        pltpu.sync_copy(xi_hbm.at[pl.ds(wid * _TOKW, _TOKW)], xloc)
        pltpu.sync_copy(posw_hbm.at[wid], idxs)
        c0 = pltpu.async_copy(xloc, out_hbm.at[idxs.at[0]], s0)
        c1 = pltpu.async_copy(xloc, out_hbm.at[idxs.at[1]], s1)
        c0.wait()
        c1.wait()

    @functools.partial(
        pl.kernel,
        out_type=jax.ShapeDtypeStruct((_N, _O), jnp.float32),
        mesh=mesh,
        scratch_types=[
            pltpu.VMEM((_TOKW,), jnp.int32),
            pltpu.VMEM((_TOKW,), jnp.int32),
            pltpu.VMEM((_TOKW, 16), jnp.float32),
            pltpu.VMEM((_TOKW, 16), jnp.float32),
            pltpu.VMEM((_CCH, _O), jnp.float32),
            pltpu.VMEM((_CCH, _O), jnp.float32),
            pltpu.VMEM((_CCH, _O), jnp.float32),
            pltpu.VMEM((_CCH, _O), jnp.float32),
            pltpu.VMEM((_CCH, _O), jnp.float32),
            pltpu.VMEM((_CCH, _O), jnp.float32),
            pltpu.SemaphoreType.DMA,
            pltpu.SemaphoreType.DMA,
            pltpu.SemaphoreType.DMA,
            pltpu.SemaphoreType.DMA,
            pltpu.SemaphoreType.DMA,
            pltpu.SemaphoreType.DMA,
            pltpu.SemaphoreType.DMA,
            pltpu.SemaphoreType.DMA,
            pltpu.SemaphoreType.DMA,
        ],
    )
    def _sc_combine(rows_hbm, pos0_hbm, pos1_hbm, gb0_hbm, gb1_hbm, y_hbm,
                    i0_v, i1_v, g0_v, g1_v, a0, a1, c0, c1, e0, e1,
                    ga0, ga1, gb0, gb1, gc0, gc1, wa, wb, wc):
        wid = lax.axis_index("s") * _NC + lax.axis_index("c")
        base = wid * _TOKW
        pltpu.sync_copy(pos0_hbm.at[pl.ds(base, _TOKW)], i0_v)
        pltpu.sync_copy(pos1_hbm.at[pl.ds(base, _TOKW)], i1_v)
        pltpu.sync_copy(gb0_hbm.at[pl.ds(base, _TOKW)], g0_v)
        pltpu.sync_copy(gb1_hbm.at[pl.ds(base, _TOKW)], g1_v)
        slots = ((a0, a1, ga0, ga1, wa), (c0, c1, gb0, gb1, wb),
                 (e0, e1, gc0, gc1, wc))
        nch = _TOKW // _CCH
        gathers = [None] * nch
        writes = [None] * nch

        def start(c):
            r0, r1, gs0, gs1, _ = slots[c % 3]
            sl = pl.ds(c * _CCH, _CCH)
            cp0 = pltpu.async_copy(rows_hbm.at[i0_v.at[sl]], r0, gs0)
            cp1 = pltpu.async_copy(rows_hbm.at[i1_v.at[sl]], r1, gs1)
            return (cp0, cp1)

        gathers[0] = start(0)
        gathers[1] = start(1)
        for c in range(nch):
            r0, r1, _, _, ws = slots[c % 3]
            gathers[c][0].wait()
            gathers[c][1].wait()
            if c + 2 < nch:
                if c + 2 >= 3:
                    writes[c - 1].wait()
                gathers[c + 2] = start(c + 2)

            def row_body(r, _):
                tr = c * _CCH + r
                ga = g0_v[tr, :]
                gb = g1_v[tr, :]

                def vec_body(v, _):
                    sl = pl.ds(v * 16, 16)
                    r0[r, sl] = r0[r, sl] * ga + r1[r, sl] * gb
                    return 0

                return lax.fori_loop(0, _O // 16, vec_body, 0)

            lax.fori_loop(0, _CCH, row_body, 0)
            writes[c] = pltpu.async_copy(
                r0, y_hbm.at[pl.ds(base + c * _CCH, _CCH)], ws)
        for c in range(max(0, nch - 3), nch):
            writes[c].wait()

    return _sc_dispatch, _sc_combine


def _routing(i12):
    e_flat = i12.reshape(-1)
    oh = (e_flat[:, None] == jnp.arange(_E, dtype=jnp.int32)[None, :])
    oh = oh.astype(jnp.int32)
    csum = jnp.cumsum(oh, axis=0)
    counts = csum[-1]
    rank = jnp.sum(csum * oh, axis=1) - 1
    tiles = (counts + _T - 1) // _T
    zero1 = jnp.zeros((1,), jnp.int32)
    pad_start = jnp.concatenate([zero1, jnp.cumsum(tiles * _T)])
    dest = pad_start[e_flat] + rank
    pos = dest.reshape(_N, _K)
    nv = pad_start[_E] // _T
    tvec = jnp.arange(_NT, dtype=jnp.int32)
    eid = jnp.clip(jnp.searchsorted(pad_start[1:], tvec * _T, side="right"),
                   0, _E - 1).astype(jnp.int32)
    eid = jnp.where(tvec < nv, eid, eid[nv - 1])
    blk = jnp.where(tvec < nv, tvec, nv - 1)
    valid = (tvec < nv).astype(jnp.int32)
    meta = jnp.stack([eid, blk, valid])
    return pos, meta


def kernel(x, w_gate, W1, b1, W2, b2):
    wg_pad = jnp.zeros((_D, _EP), jnp.float32).at[:, :_E].set(w_gate)
    idx8, g8, loss8, xi32 = _gating_call(x, wg_pad)
    i12 = idx8[:, :_K]
    g12 = g8[:, :_K]
    pos, meta = _routing(i12)
    gb0 = jnp.broadcast_to(g12[:, 0][:, None], (_N, 16))
    gb1 = jnp.broadcast_to(g12[:, 1][:, None], (_N, 16))
    sc_dispatch, sc_combine = _sc_kernels()
    posw = pos.reshape(_NW, _TOKW, _K).transpose(0, 2, 1)
    xs = sc_dispatch(xi32, posw)
    rows = _gmm_call(meta, xs, W1, b1.reshape(_E, 1, _H),
                     W2, b2.reshape(_E, 1, _O))
    y = sc_combine(rows, pos[:, 0], pos[:, 1], gb0, gb1)
    return y, loss8[0, 0]

# --- scband reference (transcript-rebuilt; emitter-appended) ---
"""Pipeline reference for scband-mo-e-66443144069227 (READ-ONLY COPY).

The authoritative reference and input builder live on the scoring server;
editing this copy changes nothing except your own understanding.
"""

import jax, jax.numpy as jnp
import numpy as np

N, D, H, O, E, K = 2048, 1024, 1024, 1024, 8, 2


def cv_squared(v):
    v = v.astype(jnp.float32)
    return jnp.var(v, ddof=1) / (jnp.mean(v) ** 2 + 1e-10)


def setup_inputs(seed: int = 0) -> dict:
    key = jax.random.key(seed)
    ks = jax.random.split(key, 6)
    x = jax.random.normal(ks[0], (N, D), dtype=jnp.float32)
    w_gate = jax.random.normal(ks[1], (D, E), dtype=jnp.float32) * 0.02
    W1 = jax.random.normal(ks[2], (E, D, H), dtype=jnp.float32) * (1.0 / np.sqrt(D))
    b1 = jnp.zeros((E, H), dtype=jnp.float32)
    W2 = jax.random.normal(ks[3], (E, H, O), dtype=jnp.float32) * (1.0 / np.sqrt(H))
    b2 = jnp.zeros((E, O), dtype=jnp.float32)
    return {"x": x, "w_gate": w_gate, "W1": W1, "b1": b1, "W2": W2, "b2": b2}


def reference(x, w_gate, W1, b1, W2, b2):
    # --- noisy_top_k_gating (eval path: noisy_gating disabled, clean logits) ---
    logits = x @ w_gate
    top_logits, top_indices = jax.lax.top_k(logits, K + 1)
    top_k_logits = top_logits[:, :K]
    top_k_indices = top_indices[:, :K]
    top_k_gates = jax.nn.softmax(top_k_logits, axis=1)
    B = x.shape[0]
    gates = jnp.zeros((B, E), dtype=x.dtype).at[jnp.arange(B)[:, None], top_k_indices].set(top_k_gates)
    # --- load-balancing auxiliary loss ---
    importance = gates.sum(axis=0)
    load = (gates > 0).sum(axis=0)
    loss = (cv_squared(importance) + cv_squared(load)) * 0.01
    # --- expert computation; SparseDispatcher dispatch/combine is mathematically
    # equivalent to gate-weighted sum of per-expert outputs (gates are zero for
    # non-selected experts) ---
    h = jax.nn.relu(jnp.einsum('nd,edh->enh', x, W1) + b1[:, None, :])
    expert_out = jnp.einsum('enh,eho->eno', h, W2) + b2[:, None, :]
    y = jnp.einsum('ne,eno->no', gates, expert_out)
    return y, loss

if __name__ == "__main__":
    import jax
    _d = setup_inputs()
    print(jax.jit(kernel)(*tuple(_d.values())))

</pallas_src>

<mosaic_0001>
#map = affine_map<(d0, d1) -> (0, 0)>
#map1 = affine_map<(d0, d1) -> (0)>
module attributes {stable_mosaic.version = 14 : i64} {
  func.func @_sc_combine(%arg0: i32, %arg1: i32, %arg2: memref<8192x1024xf32, #tpu.memory_space<hbm>>, %arg3: memref<2048xi32, #tpu.memory_space<hbm>>, %arg4: memref<2048xi32, #tpu.memory_space<hbm>>, %arg5: memref<2048x16xf32, #tpu.memory_space<hbm>>, %arg6: memref<2048x16xf32, #tpu.memory_space<hbm>>, %arg7: memref<2048x1024xf32, #tpu.memory_space<hbm>>, %arg8: memref<64xi32, #tpu.memory_space<vmem>>, %arg9: memref<64xi32, #tpu.memory_space<vmem>>, %arg10: memref<64x16xf32, #tpu.memory_space<vmem>>, %arg11: memref<64x16xf32, #tpu.memory_space<vmem>>, %arg12: memref<16x1024xf32, #tpu.memory_space<vmem>>, %arg13: memref<16x1024xf32, #tpu.memory_space<vmem>>, %arg14: memref<16x1024xf32, #tpu.memory_space<vmem>>, %arg15: memref<16x1024xf32, #tpu.memory_space<vmem>>, %arg16: memref<16x1024xf32, #tpu.memory_space<vmem>>, %arg17: memref<16x1024xf32, #tpu.memory_space<vmem>>, %arg18: memref<!tpu.dma_semaphore, #tpu.memory_space<semaphore_mem>>, %arg19: memref<!tpu.dma_semaphore, #tpu.memory_space<semaphore_mem>>, %arg20: memref<!tpu.dma_semaphore, #tpu.memory_space<semaphore_mem>>, %arg21: memref<!tpu.dma_semaphore, #tpu.memory_space<semaphore_mem>>, %arg22: memref<!tpu.dma_semaphore, #tpu.memory_space<semaphore_mem>>, %arg23: memref<!tpu.dma_semaphore, #tpu.memory_space<semaphore_mem>>, %arg24: memref<!tpu.dma_semaphore, #tpu.memory_space<semaphore_mem>>, %arg25: memref<!tpu.dma_semaphore, #tpu.memory_space<semaphore_mem>>, %arg26: memref<!tpu.dma_semaphore, #tpu.memory_space<semaphore_mem>>) attributes {dimension_semantics = [#tpu.dimension_semantics<core_parallel>, #tpu.dimension_semantics<subcore_parallel>], iteration_bounds = array<i64: 2, 16>, scalar_prefetch = 0 : i64, scratch_operands = 19 : i64, tpu.core_type = #tpu.core_type<sc_vector_subcore>, window_params = [{transform_indices = #map}, {transform_indices = #map1}, {transform_indices = #map1}, {transform_indices = #map}, {transform_indices = #map}, {transform_indices = #map}]} {
    %mul3A = arith.constant 2 : i32
    %mul3A_0 = arith.muli %arg1, %mul3A : i32
    %add3A = arith.addi %mul3A_0, %arg0 : i32
    %mul3A_1 = arith.constant 64 : i32
    %mul3A_2 = arith.muli %add3A, %mul3A_1 : i32
    "tpu.region"() ({
      %run_scoped3A = tpu.sem_alloc : memref<!tpu.dma_semaphore, #tpu.memory_space<semaphore_mem>>
      %dma_start3A_148 = tpu.memref_slice %arg3[%mul3A_2] : memref<2048xi32, #tpu.memory_space<hbm>> -> memref<64xi32, #tpu.memory_space<hbm>>
      %dma_start3A_149 = tpu.memref_slice %arg3[%mul3A_2] : memref<2048xi32, #tpu.memory_space<hbm>> -> memref<64xi32, #tpu.memory_space<hbm>>
      tpu.enqueue_dma source(%dma_start3A_149 : memref<64xi32, #tpu.memory_space<hbm>>) target(%arg8 : memref<64xi32, #tpu.memory_space<vmem>>) target_semaphore(%run_scoped3A : memref<!tpu.dma_semaphore, #tpu.memory_space<semaphore_mem>>)
      %dma_wait3A_150 = tpu.memref_slice %arg3[%mul3A_2] : memref<2048xi32, #tpu.memory_space<hbm>> -> memref<64xi32, #tpu.memory_space<hbm>>
      %dma_wait3A_151 = tpu.memref_slice %arg3[%mul3A_2] : memref<2048xi32, #tpu.memory_space<hbm>> -> memref<64xi32, #tpu.memory_space<hbm>>
      tpu.wait_dma2 semaphore(%run_scoped3A : memref<!tpu.dma_semaphore, #tpu.memory_space<semaphore_mem>>) src(%dma_wait3A_151 : memref<64xi32, #tpu.memory_space<hbm>>) dst(%arg8 : memref<64xi32, #tpu.memory_space<vmem>>)
      tpu.yield
    }) : () -> ()
    "tpu.region"() ({
      %run_scoped3A = tpu.sem_alloc : memref<!tpu.dma_semaphore, #tpu.memory_space<semaphore_mem>>
      %dma_start3A_148 = tpu.memref_slice %arg4[%mul3A_2] : memref<2048xi32, #tpu.memory_space<hbm>> -> memref<64xi32, #tpu.memory_space<hbm>>
      %dma_start3A_149 = tpu.memref_slice %arg4[%mul3A_2] : memref<2048xi32, #tpu.memory_space<hbm>> -> memref<64xi32, #tpu.memory_space<hbm>>
      tpu.enqueue_dma source(%dma_start3A_149 : memref<64xi32, #tpu.memory_space<hbm>>) target(%arg9 : memref<64xi32, #tpu.memory_space<vmem>>) target_semaphore(%run_scoped3A : memref<!tpu.dma_semaphore, #tpu.memory_space<semaphore_mem>>)
      %dma_wait3A_150 = tpu.memref_slice %arg4[%mul3A_2] : memref<2048xi32, #tpu.memory_space<hbm>> -> memref<64xi32, #tpu.memory_space<hbm>>
      %dma_wait3A_151 = tpu.memref_slice %arg4[%mul3A_2] : memref<2048xi32, #tpu.memory_space<hbm>> -> memref<64xi32, #tpu.memory_space<hbm>>
      tpu.wait_dma2 semaphore(%run_scoped3A : memref<!tpu.dma_semaphore, #tpu.memory_space<semaphore_mem>>) src(%dma_wait3A_151 : memref<64xi32, #tpu.memory_space<hbm>>) dst(%arg9 : memref<64xi32, #tpu.memory_space<vmem>>)
      tpu.yield
    }) : () -> ()
    "tpu.region"() ({
      %run_scoped3A = tpu.sem_alloc : memref<!tpu.dma_semaphore, #tpu.memory_space<semaphore_mem>>
      %dma_start3A_148 = arith.constant 0 : i32
      %dma_start3A_149 = tpu.memref_slice %arg5[%mul3A_2, %dma_start3A_148] : memref<2048x16xf32, #tpu.memory_space<hbm>> -> memref<64x16xf32, #tpu.memory_space<hbm>>
      %dma_start3A_150 = arith.constant 0 : i32
      %dma_start3A_151 = tpu.memref_slice %arg5[%mul3A_2, %dma_start3A_150] : memref<2048x16xf32, #tpu.memory_space<hbm>> -> memref<64x16xf32, #tpu.memory_space<hbm>>
      tpu.enqueue_dma source(%dma_start3A_151 : memref<64x16xf32, #tpu.memory_space<hbm>>) target(%arg10 : memref<64x16xf32, #tpu.memory_space<vmem>>) target_semaphore(%run_scoped3A : memref<!tpu.dma_semaphore, #tpu.memory_space<semaphore_mem>>)
      %dma_wait3A_152 = arith.constant 0 : i32
      %dma_wait3A_153 = tpu.memref_slice %arg5[%mul3A_2, %dma_wait3A_152] : memref<2048x16xf32, #tpu.memory_space<hbm>> -> memref<64x16xf32, #tpu.memory_space<hbm>>
      %dma_wait3A_154 = arith.constant 0 : i32
      %dma_wait3A_155 = tpu.memref_slice %arg5[%mul3A_2, %dma_wait3A_154] : memref<2048x16xf32, #tpu.memory_space<hbm>> -> memref<64x16xf32, #tpu.memory_space<hbm>>
      tpu.wait_dma2 semaphore(%run_scoped3A : memref<!tpu.dma_semaphore, #tpu.memory_space<semaphore_mem>>) src(%dma_wait3A_155 : memref<64x16xf32, #tpu.memory_space<hbm>>) dst(%arg10 : memref<64x16xf32, #tpu.memory_space<vmem>>)
      tpu.yield
    }) : () -> ()
    "tpu.region"() ({
      %run_scoped3A = tpu.sem_alloc : memref<!tpu.dma_semaphore, #tpu.memory_space<semaphore_mem>>
      %dma_start3A_148 = arith.constant 0 : i32
      %dma_start3A_149 = tpu.memref_slice %arg6[%mul3A_2, %dma_start3A_148] : memref<2048x16xf32, #tpu.memory_space<hbm>> -> memref<64x16xf32, #tpu.memory_space<hbm>>
      %dma_start3A_150 = arith.constant 0 : i32
      %dma_start3A_151 = tpu.memref_slice %arg6[%mul3A_2, %dma_start3A_150] : memref<2048x16xf32, #tpu.memory_space<hbm>> -> memref<64x16xf32, #tpu.memory_space<hbm>>
      tpu.enqueue_dma source(%dma_start3A_151 : memref<64x16xf32, #tpu.memory_space<hbm>>) target(%arg11 : memref<64x16xf32, #tpu.memory_space<vmem>>) target_semaphore(%run_scoped3A : memref<!tpu.dma_semaphore, #tpu.memory_space<semaphore_mem>>)
      %dma_wait3A_152 = arith.constant 0 : i32
      %dma_wait3A_153 = tpu.memref_slice %arg6[%mul3A_2, %dma_wait3A_152] : memref<2048x16xf32, #tpu.memory_space<hbm>> -> memref<64x16xf32, #tpu.memory_space<hbm>>
      %dma_wait3A_154 = arith.constant 0 : i32
      %dma_wait3A_155 = tpu.memref_slice %arg6[%mul3A_2, %dma_wait3A_154] : memref<2048x16xf32, #tpu.memory_space<hbm>> -> memref<64x16xf32, #tpu.memory_space<hbm>>
      tpu.wait_dma2 semaphore(%run_scoped3A : memref<!tpu.dma_semaphore, #tpu.memory_space<semaphore_mem>>) src(%dma_wait3A_155 : memref<64x16xf32, #tpu.memory_space<hbm>>) dst(%arg11 : memref<64x16xf32, #tpu.memory_space<vmem>>)
      tpu.yield
    }) : () -> ()
    %dma_start3A = arith.constant 0 : i32
    %dma_start3A_3 = tpu.memref_slice %arg8[%dma_start3A] : memref<64xi32, #tpu.memory_space<vmem>> -> memref<16xi32, #tpu.memory_space<vmem>>
    %dma_start3A_4 = arith.constant 0 : i32
    %dma_start3A_5 = arith.constant 0 : i32
    %dma_start3A_6 = tpu.memref_slice %arg2[%dma_start3A_4, %dma_start3A_5] : memref<8192x1024xf32, #tpu.memory_space<hbm>> -> memref<8192x1024xf32, #tpu.memory_space<hbm>>
    tpu.enqueue_indirect_dma source(%dma_start3A_6 : memref<8192x1024xf32, #tpu.memory_space<hbm>>) target(%arg12 : memref<16x1024xf32, #tpu.memory_space<vmem>>) offsets(%dma_start3A_3 : memref<16xi32, #tpu.memory_space<vmem>>) semaphore(%arg18 : memref<!tpu.dma_semaphore, #tpu.memory_space<semaphore_mem>>)
    %dma_start3A_7 = arith.constant 0 : i32
    %dma_start3A_8 = tpu.memref_slice %arg9[%dma_start3A_7] : memref<64xi32, #tpu.memory_space<vmem>> -> memref<16xi32, #tpu.memory_space<vmem>>
    %dma_start3A_9 = arith.constant 0 : i32
    %dma_start3A_10 = arith.constant 0 : i32
    %dma_start3A_11 = tpu.memref_slice %arg2[%dma_start3A_9, %dma_start3A_10] : memref<8192x1024xf32, #tpu.memory_space<hbm>> -> memref<8192x1024xf32, #tpu.memory_space<hbm>>
    tpu.enqueue_indirect_dma source(%dma_start3A_11 : memref<8192x1024xf32, #tpu.memory_space<hbm>>) target(%arg13 : memref<16x1024xf32, #tpu.memory_space<vmem>>) offsets(%dma_start3A_8 : memref<16xi32, #tpu.memory_space<vmem>>) semaphore(%arg19 : memref<!tpu.dma_semaphore, #tpu.memory_space<semaphore_mem>>)
    %dma_start3A_12 = arith.constant 16 : i32
    %dma_start3A_13 = tpu.memref_slice %arg8[%dma_start3A_12] : memref<64xi32, #tpu.memory_space<vmem>> -> memref<16xi32, #tpu.memory_space<vmem>>
    %dma_start3A_14 = arith.constant 0 : i32
    %dma_start3A_15 = arith.constant 0 : i32
    %dma_start3A_16 = tpu.memref_slice %arg2[%dma_start3A_14, %dma_start3A_15] : memref<8192x1024xf32, #tpu.memory_space<hbm>> -> memref<8192x1024xf32, #tpu.memory_space<hbm>>
    tpu.enqueue_indirect_dma source(%dma_start3A_16 : memref<8192x1024xf32, #tpu.memory_space<hbm>>) target(%arg14 : memref<16x1024xf32, #tpu.memory_space<vmem>>) offsets(%dma_start3A_13 : memref<16xi32, #tpu.memory_space<vmem>>) semaphore(%arg20 : memref<!tpu.dma_semaphore, #tpu.memory_space<semaphore_mem>>)
    %dma_start3A_17 = arith.constant 16 : i32
    %dma_start3A_18 = tpu.memref_slice %arg9[%dma_start3A_17] : memref<64xi32, #tpu.memory_space<vmem>> -> memref<16xi32, #tpu.memory_space<vmem>>
    %dma_start3A_19 = arith.constant 0 : i32
    %dma_start3A_20 = arith.constant 0 : i32
    %dma_start3A_21 = tpu.memref_slice %arg2[%dma_start3A_19, %dma_start3A_20] : memref<8192x1024xf32, #tpu.memory_space<hbm>> -> memref<8192x1024xf32, #tpu.memory_space<hbm>>
    tpu.enqueue_indirect_dma source(%dma_start3A_21 : memref<8192x1024xf32, #tpu.memory_space<hbm>>) target(%arg15 : memref<16x1024xf32, #tpu.memory_space<vmem>>) offsets(%dma_start3A_18 : memref<16xi32, #tpu.memory_space<vmem>>) semaphore(%arg21 : memref<!tpu.dma_semaphore, #tpu.memory_space<semaphore_mem>>)
    %dma_wait3A = arith.constant 0 : i32
    %dma_wait3A_22 = tpu.memref_slice %arg8[%dma_wait3A] : memref<64xi32, #tpu.memory_space<vmem>> -> memref<16xi32, #tpu.memory_space<vmem>>
    %dma_wait3A_23 = arith.constant 0 : i32
    %dma_wait3A_24 = arith.constant 0 : i32
    %dma_wait3A_25 = tpu.memref_slice %arg2[%dma_wait3A_23, %dma_wait3A_24] : memref<8192x1024xf32, #tpu.memory_space<hbm>> -> memref<8192x1024xf32, #tpu.memory_space<hbm>>
    tpu.wait_indirect_dma semaphore(%arg18 : memref<!tpu.dma_semaphore, #tpu.memory_space<semaphore_mem>>) src(%dma_wait3A_25 : memref<8192x1024xf32, #tpu.memory_space<hbm>>) dst(%arg12 : memref<16x1024xf32, #tpu.memory_space<vmem>>)
    %dma_wait3A_26 = arith.constant 0 : i32
    %dma_wait3A_27 = tpu.memref_slice %arg9[%dma_wait3A_26] : memref<64xi32, #tpu.memory_space<vmem>> -> memref<16xi32, #tpu.memory_space<vmem>>
    %dma_wait3A_28 = arith.constant 0 : i32
    %dma_wait3A_29 = arith.constant 0 : i32
    %dma_wait3A_30 = tpu.memref_slice %arg2[%dma_wait3A_28, %dma_wait3A_29] : memref<8192x1024xf32, #tpu.memory_space<hbm>> -> memref<8192x1024xf32, #tpu.memory_space<hbm>>
    tpu.wait_indirect_dma semaphore(%arg19 : memref<!tpu.dma_semaphore, #tpu.memory_space<semaphore_mem>>) src(%dma_wait3A_30 : memref<8192x1024xf32, #tpu.memory_space<hbm>>) dst(%arg13 : memref<16x1024xf32, #tpu.memory_space<vmem>>)
    %dma_start3A_31 = arith.constant 32 : i32
    %dma_start3A_32 = tpu.memref_slice %arg8[%dma_start3A_31] : memref<64xi32, #tpu.memory_space<vmem>> -> memref<16xi32, #tpu.memory_space<vmem>>
    %dma_start3A_33 = arith.constant 0 : i32
    %dma_start3A_34 = arith.constant 0 : i32
    %dma_start3A_35 = tpu.memref_slice %arg2[%dma_start3A_33, %dma_start3A_34] : memref<8192x1024xf32, #tpu.memory_space<hbm>> -> memref<8192x1024xf32, #tpu.memory_space<hbm>>
    tpu.enqueue_indirect_dma source(%dma_start3A_35 : memref<8192x1024xf32, #tpu.memory_space<hbm>>) target(%arg16 : memref<16x1024xf32, #tpu.memory_space<vmem>>) offsets(%dma_start3A_32 : memref<16xi32, #tpu.memory_space<vmem>>) semaphore(%arg22 : memref<!tpu.dma_semaphore, #tpu.memory_space<semaphore_mem>>)
    %dma_start3A_36 = arith.constant 32 : i32
    %dma_start3A_37 = tpu.memref_slice %arg9[%dma_start3A_36] : memref<64xi32, #tpu.memory_space<vmem>> -> memref<16xi32, #tpu.memory_space<vmem>>
    %dma_start3A_38 = arith.constant 0 : i32
    %dma_start3A_39 = arith.constant 0 : i32
    %dma_start3A_40 = tpu.memref_slice %arg2[%dma_start3A_38, %dma_start3A_39] : memref<8192x1024xf32, #tpu.memory_space<hbm>> -> memref<8192x1024xf32, #tpu.memory_space<hbm>>
    tpu.enqueue_indirect_dma source(%dma_start3A_40 : memref<8192x1024xf32, #tpu.memory_space<hbm>>) target(%arg17 : memref<16x1024xf32, #tpu.memory_space<vmem>>) offsets(%dma_start3A_37 : memref<16xi32, #tpu.memory_space<vmem>>) semaphore(%arg23 : memref<!tpu.dma_semaphore, #tpu.memory_space<semaphore_mem>>)
    %scan3A = arith.constant 0 : i32
    %scan3A_41 = arith.constant 0 : i32
    %scan3A_42 = arith.constant 16 : i32
    %scan3A_43 = arith.addi %scan3A_41, %scan3A_42 : i32
    %scan3A_44 = arith.constant 1 : i32
    %scan3A_45 = scf.for %scan3A_148 = %scan3A_41 to %scan3A_43 step %scan3A_44 iter_args(%scan3A_149 = %scan3A) -> (i32)  : i32 {
      %add3A_150 = arith.constant 0 : i32
      %add3A_151 = arith.addi %add3A_150, %scan3A_148 : i32
      %get3A = arith.index_cast %add3A_151 : i32 to index
      %get3A_152 = arith.constant 0 : index
      %get3A_153 = tpu.vector_load %arg10[%get3A, %get3A_152] {strides = array<i32>} : memref<64x16xf32, #tpu.memory_space<vmem>>, vector<1x16xf32>,
      %get3A_154 = vector.shape_cast %get3A_153 : vector<1x16xf32> to vector<16xf32>
      %get3A_155 = arith.index_cast %add3A_151 : i32 to index
      %get3A_156 = arith.constant 0 : index
      %get3A_157 = tpu.vector_load %arg11[%get3A_155, %get3A_156] {strides = array<i32>} : memref<64x16xf32, #tpu.memory_space<vmem>>, vector<1x16xf32>,
      %get3A_158 = vector.shape_cast %get3A_157 : vector<1x16xf32> to vector<16xf32>
      %scan3A_159 = arith.constant 0 : i32
      %scan3A_160 = arith.constant 0 : i32
      %scan3A_161 = arith.constant 64 : i32
      %scan3A_162 = arith.addi %scan3A_160, %scan3A_161 : i32
      %scan3A_163 = arith.constant 1 : i32
      %scan3A_164 = scf.for %scan3A_166 = %scan3A_160 to %scan3A_162 step %scan3A_163 iter_args(%scan3A_167 = %scan3A_159) -> (i32)  : i32 {
        %mul3A_168 = arith.constant 16 : i32
        %mul3A_169 = arith.muli %scan3A_166, %mul3A_168 : i32
        %get3A_170 = arith.index_cast %scan3A_148 : i32 to index
        %get3A_171 = arith.index_cast %mul3A_169 : i32 to index
        %get3A_172 = tpu.vector_load %arg12[%get3A_170, %get3A_171] {strides = array<i32>} : memref<16x1024xf32, #tpu.memory_space<vmem>>, vector<1x16xf32>,
        %get3A_173 = vector.shape_cast %get3A_172 : vector<1x16xf32> to vector<16xf32>
        %mul3A_174 = arith.mulf %get3A_173, %get3A_154 : vector<16xf32>
        %get3A_175 = arith.index_cast %scan3A_148 : i32 to index
        %get3A_176 = arith.index_cast %mul3A_169 : i32 to index
        %get3A_177 = tpu.vector_load %arg13[%get3A_175, %get3A_176] {strides = array<i32>} : memref<16x1024xf32, #tpu.memory_space<vmem>>, vector<1x16xf32>,
        %get3A_178 = vector.shape_cast %get3A_177 : vector<1x16xf32> to vector<16xf32>
        %mul3A_179 = arith.mulf %get3A_178, %get3A_158 : vector<16xf32>
        %add3A_180 = arith.addf %mul3A_174, %mul3A_179 : vector<16xf32>
        %swap3A = arith.index_cast %scan3A_148 : i32 to index
        %swap3A_181 = arith.index_cast %mul3A_169 : i32 to index
        %swap3A_182 = tpu.vector_load %arg12[%swap3A, %swap3A_181] {strides = array<i32>} : memref<16x1024xf32, #tpu.memory_space<vmem>>, vector<1x16xf32>,
        %swap3A_183 = vector.shape_cast %swap3A_182 : vector<1x16xf32> to vector<16xf32>
        %swap3A_184 = vector.shape_cast %add3A_180 : vector<16xf32> to vector<1x16xf32>
        tpu.vector_store %arg12[%swap3A, %swap3A_181], %swap3A_184 {strides = array<i32>} : memref<16x1024xf32, #tpu.memory_space<vmem>>, vector<1x16xf32>,
        %scan3A_185 = arith.constant 0 : i32
        scf.yield %scan3A_185 : i32
      }
      %scan3A_165 = arith.constant 64 : i32
      scf.yield %scan3A_164 : i32
    }
    %scan3A_46 = arith.constant 16 : i32
    %add3A_47 = arith.constant 0 : i32
    %add3A_48 = arith.addi %mul3A_2, %add3A_47 : i32
    %dma_start3A_49 = arith.constant 0 : i32
    %dma_start3A_50 = tpu.memref_slice %arg7[%add3A_48, %dma_start3A_49] : memref<2048x1024xf32, #tpu.memory_space<hbm>> -> memref<16x1024xf32, #tpu.memory_space<hbm>>
    %dma_start3A_51 = arith.constant 0 : i32
    %dma_start3A_52 = tpu.memref_slice %arg7[%add3A_48, %dma_start3A_51] : memref<2048x1024xf32, #tpu.memory_space<hbm>> -> memref<16x1024xf32, #tpu.memory_space<hbm>>
    tpu.enqueue_dma source(%arg12 : memref<16x1024xf32, #tpu.memory_space<vmem>>) target(%dma_start3A_52 : memref<16x1024xf32, #tpu.memory_space<hbm>>) target_semaphore(%arg24 : memref<!tpu.dma_semaphore, #tpu.memory_space<semaphore_mem>>)
    %dma_wait3A_53 = arith.constant 16 : i32
    %dma_wait3A_54 = tpu.memref_slice %arg8[%dma_wait3A_53] : memref<64xi32, #tpu.memory_space<vmem>> -> memref<16xi32, #tpu.memory_space<vmem>>
    %dma_wait3A_55 = arith.constant 0 : i32
    %dma_wait3A_56 = arith.constant 0 : i32
    %dma_wait3A_57 = tpu.memref_slice %arg2[%dma_wait3A_55, %dma_wait3A_56] : memref<8192x1024xf32, #tpu.memory_space<hbm>> -> memref<8192x1024xf32, #tpu.memory_space<hbm>>
    tpu.wait_indirect_dma semaphore(%arg20 : memref<!tpu.dma_semaphore, #tpu.memory_space<semaphore_mem>>) src(%dma_wait3A_57 : memref<8192x1024xf32, #tpu.memory_space<hbm>>) dst(%arg14 : memref<16x1024xf32, #tpu.memory_space<vmem>>)
    %dma_wait3A_58 = arith.constant 16 : i32
    %dma_wait3A_59 = tpu.memref_slice %arg9[%dma_wait3A_58] : memref<64xi32, #tpu.memory_space<vmem>> -> memref<16xi32, #tpu.memory_space<vmem>>
    %dma_wait3A_60 = arith.constant 0 : i32
    %dma_wait3A_61 = arith.constant 0 : i32
    %dma_wait3A_62 = tpu.memref_slice %arg2[%dma_wait3A_60, %dma_wait3A_61] : memref<8192x1024xf32, #tpu.memory_space<hbm>> -> memref<8192x1024xf32, #tpu.memory_space<hbm>>
    tpu.wait_indirect_dma semaphore(%arg21 : memref<!tpu.dma_semaphore, #tpu.memory_space<semaphore_mem>>) src(%dma_wait3A_62 : memref<8192x1024xf32, #tpu.memory_space<hbm>>) dst(%arg15 : memref<16x1024xf32, #tpu.memory_space<vmem>>)
    %dma_wait3A_63 = arith.constant 0 : i32
    %dma_wait3A_64 = tpu.memref_slice %arg7[%add3A_48, %dma_wait3A_63] : memref<2048x1024xf32, #tpu.memory_space<hbm>> -> memref<16x1024xf32, #tpu.memory_space<hbm>>
    %dma_wait3A_65 = arith.constant 0 : i32
    %dma_wait3A_66 = tpu.memref_slice %arg7[%add3A_48, %dma_wait3A_65] : memref<2048x1024xf32, #tpu.memory_space<hbm>> -> memref<16x1024xf32, #tpu.memory_space<hbm>>
    tpu.wait_dma2 semaphore(%arg24 : memref<!tpu.dma_semaphore, #tpu.memory_space<semaphore_mem>>) src(%arg12 : memref<16x1024xf32, #tpu.memory_space<vmem>>) dst(%dma_wait3A_66 : memref<16x1024xf32, #tpu.memory_space<hbm>>)
    %dma_start3A_67 = arith.constant 48 : i32
    %dma_start3A_68 = tpu.memref_slice %arg8[%dma_start3A_67] : memref<64xi32, #tpu.memory_space<vmem>> -> memref<16xi32, #tpu.memory_space<vmem>>
    %dma_start3A_69 = arith.constant 0 : i32
    %dma_start3A_70 = arith.constant 0 : i32
    %dma_start3A_71 = tpu.memref_slice %arg2[%dma_start3A_69, %dma_start3A_70] : memref<8192x1024xf32, #tpu.memory_space<hbm>> -> memref<8192x1024xf32, #tpu.memory_space<hbm>>
    tpu.enqueue_indirect_dma source(%dma_start3A_71 : memref<8192x1024xf32, #tpu.memory_space<hbm>>) target(%arg12 : memref<16x1024xf32, #tpu.memory_space<vmem>>) offsets(%dma_start3A_68 : memref<16xi32, #tpu.memory_space<vmem>>) semaphore(%arg18 : memref<!tpu.dma_semaphore, #tpu.memory_space<semaphore_mem>>)
    %dma_start3A_72 = arith.constant 48 : i32
    %dma_start3A_73 = tpu.memref_slice %arg9[%dma_start3A_72] : memref<64xi32, #tpu.memory_space<vmem>> -> memref<16xi32, #tpu.memory_space<vmem>>
    %dma_start3A_74 = arith.constant 0 : i32
    %dma_start3A_75 = arith.constant 0 : i32
    %dma_start3A_76 = tpu.memref_slice %arg2[%dma_start3A_74, %dma_start3A_75] : memref<8192x1024xf32, #tpu.memory_space<hbm>> -> memref<8192x1024xf32, #tpu.memory_space<hbm>>
    tpu.enqueue_indirect_dma source(%dma_start3A_76 : memref<8192x1024xf32, #tpu.memory_space<hbm>>) target(%arg13 : memref<16x1024xf32, #tpu.memory_space<vmem>>) offsets(%dma_start3A_73 : memref<16xi32, #tpu.memory_space<vmem>>) semaphore(%arg19 : memref<!tpu.dma_semaphore, #tpu.memory_space<semaphore_mem>>)
    %scan3A_77 = arith.constant 0 : i32
    %scan3A_78 = arith.constant 0 : i32
    %scan3A_79 = arith.constant 16 : i32
    %scan3A_80 = arith.addi %scan3A_78, %scan3A_79 : i32
    %scan3A_81 = arith.constant 1 : i32
    %scan3A_82 = scf.for %scan3A_148 = %scan3A_78 to %scan3A_80 step %scan3A_81 iter_args(%scan3A_149 = %scan3A_77) -> (i32)  : i32 {
      %add3A_150 = arith.constant 16 : i32
      %add3A_151 = arith.addi %add3A_150, %scan3A_148 : i32
      %get3A = arith.index_cast %add3A_151 : i32 to index
      %get3A_152 = arith.constant 0 : index
      %get3A_153 = tpu.vector_load %arg10[%get3A, %get3A_152] {strides = array<i32>} : memref<64x16xf32, #tpu.memory_space<vmem>>, vector<1x16xf32>,
      %get3A_154 = vector.shape_cast %get3A_153 : vector<1x16xf32> to vector<16xf32>
      %get3A_155 = arith.index_cast %add3A_151 : i32 to index
      %get3A_156 = arith.constant 0 : index
      %get3A_157 = tpu.vector_load %arg11[%get3A_155, %get3A_156] {strides = array<i32>} : memref<64x16xf32, #tpu.memory_space<vmem>>, vector<1x16xf32>,
      %get3A_158 = vector.shape_cast %get3A_157 : vector<1x16xf32> to vector<16xf32>
      %scan3A_159 = arith.constant 0 : i32
      %scan3A_160 = arith.constant 0 : i32
      %scan3A_161 = arith.constant 64 : i32
      %scan3A_162 = arith.addi %scan3A_160, %scan3A_161 : i32
      %scan3A_163 = arith.constant 1 : i32
      %scan3A_164 = scf.for %scan3A_166 = %scan3A_160 to %scan3A_162 step %scan3A_163 iter_args(%scan3A_167 = %scan3A_159) -> (i32)  : i32 {
        %mul3A_168 = arith.constant 16 : i32
        %mul3A_169 = arith.muli %scan3A_166, %mul3A_168 : i32
        %get3A_170 = arith.index_cast %scan3A_148 : i32 to index
        %get3A_171 = arith.index_cast %mul3A_169 : i32 to index
        %get3A_172 = tpu.vector_load %arg14[%get3A_170, %get3A_171] {strides = array<i32>} : memref<16x1024xf32, #tpu.memory_space<vmem>>, vector<1x16xf32>,
        %get3A_173 = vector.shape_cast %get3A_172 : vector<1x16xf32> to vector<16xf32>
        %mul3A_174 = arith.mulf %get3A_173, %get3A_154 : vector<16xf32>
        %get3A_175 = arith.index_cast %scan3A_148 : i32 to index
        %get3A_176 = arith.index_cast %mul3A_169 : i32 to index
        %get3A_177 = tpu.vector_load %arg15[%get3A_175, %get3A_176] {strides = array<i32>} : memref<16x1024xf32, #tpu.memory_space<vmem>>, vector<1x16xf32>,
        %get3A_178 = vector.shape_cast %get3A_177 : vector<1x16xf32> to vector<16xf32>
        %mul3A_179 = arith.mulf %get3A_178, %get3A_158 : vector<16xf32>
        %add3A_180 = arith.addf %mul3A_174, %mul3A_179 : vector<16xf32>
        %swap3A = arith.index_cast %scan3A_148 : i32 to index
        %swap3A_181 = arith.index_cast %mul3A_169 : i32 to index
        %swap3A_182 = tpu.vector_load %arg14[%swap3A, %swap3A_181] {strides = array<i32>} : memref<16x1024xf32, #tpu.memory_space<vmem>>, vector<1x16xf32>,
        %swap3A_183 = vector.shape_cast %swap3A_182 : vector<1x16xf32> to vector<16xf32>
        %swap3A_184 = vector.shape_cast %add3A_180 : vector<16xf32> to vector<1x16xf32>
        tpu.vector_store %arg14[%swap3A, %swap3A_181], %swap3A_184 {strides = array<i32>} : memref<16x1024xf32, #tpu.memory_space<vmem>>, vector<1x16xf32>,
        %scan3A_185 = arith.constant 0 : i32
        scf.yield %scan3A_185 : i32
      }
      %scan3A_165 = arith.constant 64 : i32
      scf.yield %scan3A_164 : i32
    }
    %scan3A_83 = arith.constant 16 : i32
    %add3A_84 = arith.constant 16 : i32
    %add3A_85 = arith.addi %mul3A_2, %add3A_84 : i32
    %dma_start3A_86 = arith.constant 0 : i32
    %dma_start3A_87 = tpu.memref_slice %arg7[%add3A_85, %dma_start3A_86] : memref<2048x1024xf32, #tpu.memory_space<hbm>> -> memref<16x1024xf32, #tpu.memory_space<hbm>>
    %dma_start3A_88 = arith.constant 0 : i32
    %dma_start3A_89 = tpu.memref_slice %arg7[%add3A_85, %dma_start3A_88] : memref<2048x1024xf32, #tpu.memory_space<hbm>> -> memref<16x1024xf32, #tpu.memory_space<hbm>>
    tpu.enqueue_dma source(%arg14 : memref<16x1024xf32, #tpu.memory_space<vmem>>) target(%dma_start3A_89 : memref<16x1024xf32, #tpu.memory_space<hbm>>) target_semaphore(%arg25 : memref<!tpu.dma_semaphore, #tpu.memory_space<semaphore_mem>>)
    %dma_wait3A_90 = arith.constant 32 : i32
    %dma_wait3A_91 = tpu.memref_slice %arg8[%dma_wait3A_90] : memref<64xi32, #tpu.memory_space<vmem>> -> memref<16xi32, #tpu.memory_space<vmem>>
    %dma_wait3A_92 = arith.constant 0 : i32
    %dma_wait3A_93 = arith.constant 0 : i32
    %dma_wait3A_94 = tpu.memref_slice %arg2[%dma_wait3A_92, %dma_wait3A_93] : memref<8192x1024xf32, #tpu.memory_space<hbm>> -> memref<8192x1024xf32, #tpu.memory_space<hbm>>
    tpu.wait_indirect_dma semaphore(%arg22 : memref<!tpu.dma_semaphore, #tpu.memory_space<semaphore_mem>>) src(%dma_wait3A_94 : memref<8192x1024xf32, #tpu.memory_space<hbm>>) dst(%arg16 : memref<16x1024xf32, #tpu.memory_space<vmem>>)
    %dma_wait3A_95 = arith.constant 32 : i32
    %dma_wait3A_96 = tpu.memref_slice %arg9[%dma_wait3A_95] : memref<64xi32, #tpu.memory_space<vmem>> -> memref<16xi32, #tpu.memory_space<vmem>>
    %dma_wait3A_97 = arith.constant 0 : i32
    %dma_wait3A_98 = arith.constant 0 : i32
    %dma_wait3A_99 = tpu.memref_slice %arg2[%dma_wait3A_97, %dma_wait3A_98] : memref<8192x1024xf32, #tpu.memory_space<hbm>> -> memref<8192x1024xf32, #tpu.memory_space<hbm>>
    tpu.wait_indirect_dma semaphore(%arg23 : memref<!tpu.dma_semaphore, #tpu.memory_space<semaphore_mem>>) src(%dma_wait3A_99 : memref<8192x1024xf32, #tpu.memory_space<hbm>>) dst(%arg17 : memref<16x1024xf32, #tpu.memory_space<vmem>>)
    %scan3A_100 = arith.constant 0 : i32
    %scan3A_101 = arith.constant 0 : i32
    %scan3A_102 = arith.constant 16 : i32
    %scan3A_103 = arith.addi %scan3A_101, %scan3A_102 : i32
    %scan3A_104 = arith.constant 1 : i32
    %scan3A_105 = scf.for %scan3A_148 = %scan3A_101 to %scan3A_103 step %scan3A_104 iter_args(%scan3A_149 = %scan3A_100) -> (i32)  : i32 {
      %add3A_150 = arith.constant 32 : i32
      %add3A_151 = arith.addi %add3A_150, %scan3A_148 : i32
      %get3A = arith.index_cast %add3A_151 : i32 to index
      %get3A_152 = arith.constant 0 : index
      %get3A_153 = tpu.vector_load %arg10[%get3A, %get3A_152] {strides = array<i32>} : memref<64x16xf32, #tpu.memory_space<vmem>>, vector<1x16xf32>,
      %get3A_154 = vector.shape_cast %get3A_153 : vector<1x16xf32> to vector<16xf32>
      %get3A_155 = arith.index_cast %add3A_151 : i32 to index
      %get3A_156 = arith.constant 0 : index
      %get3A_157 = tpu.vector_load %arg11[%get3A_155, %get3A_156] {strides = array<i32>} : memref<64x16xf32, #tpu.memory_space<vmem>>, vector<1x16xf32>,
      %get3A_158 = vector.shape_cast %get3A_157 : vector<1x16xf32> to vector<16xf32>
      %scan3A_159 = arith.constant 0 : i32
      %scan3A_160 = arith.constant 0 : i32
      %scan3A_161 = arith.constant 64 : i32
      %scan3A_162 = arith.addi %scan3A_160, %scan3A_161 : i32
      %scan3A_163 = arith.constant 1 : i32
      %scan3A_164 = scf.for %scan3A_166 = %scan3A_160 to %scan3A_162 step %scan3A_163 iter_args(%scan3A_167 = %scan3A_159) -> (i32)  : i32 {
        %mul3A_168 = arith.constant 16 : i32
        %mul3A_169 = arith.muli %scan3A_166, %mul3A_168 : i32
        %get3A_170 = arith.index_cast %scan3A_148 : i32 to index
        %get3A_171 = arith.index_cast %mul3A_169 : i32 to index
        %get3A_172 = tpu.vector_load %arg16[%get3A_170, %get3A_171] {strides = array<i32>} : memref<16x1024xf32, #tpu.memory_space<vmem>>, vector<1x16xf32>,
        %get3A_173 = vector.shape_cast %get3A_172 : vector<1x16xf32> to vector<16xf32>
        %mul3A_174 = arith.mulf %get3A_173, %get3A_154 : vector<16xf32>
        %get3A_175 = arith.index_cast %scan3A_148 : i32 to index
        %get3A_176 = arith.index_cast %mul3A_169 : i32 to index
        %get3A_177 = tpu.vector_load %arg17[%get3A_175, %get3A_176] {strides = array<i32>} : memref<16x1024xf32, #tpu.memory_space<vmem>>, vector<1x16xf32>,
        %get3A_178 = vector.shape_cast %get3A_177 : vector<1x16xf32> to vector<16xf32>
        %mul3A_179 = arith.mulf %get3A_178, %get3A_158 : vector<16xf32>
        %add3A_180 = arith.addf %mul3A_174, %mul3A_179 : vector<16xf32>
        %swap3A = arith.index_cast %scan3A_148 : i32 to index
        %swap3A_181 = arith.index_cast %mul3A_169 : i32 to index
        %swap3A_182 = tpu.vector_load %arg16[%swap3A, %swap3A_181] {strides = array<i32>} : memref<16x1024xf32, #tpu.memory_space<vmem>>, vector<1x16xf32>,
        %swap3A_183 = vector.shape_cast %swap3A_182 : vector<1x16xf32> to vector<16xf32>
        %swap3A_184 = vector.shape_cast %add3A_180 : vector<16xf32> to vector<1x16xf32>
        tpu.vector_store %arg16[%swap3A, %swap3A_181], %swap3A_184 {strides = array<i32>} : memref<16x1024xf32, #tpu.memory_space<vmem>>, vector<1x16xf32>,
        %scan3A_185 = arith.constant 0 : i32
        scf.yield %scan3A_185 : i32
      }
      %scan3A_165 = arith.constant 64 : i32
      scf.yield %scan3A_164 : i32
    }
    %scan3A_106 = arith.constant 16 : i32
    %add3A_107 = arith.constant 32 : i32
    %add3A_108 = arith.addi %mul3A_2, %add3A_107 : i32
    %dma_start3A_109 = arith.constant 0 : i32
    %dma_start3A_110 = tpu.memref_slice %arg7[%add3A_108, %dma_start3A_109] : memref<2048x1024xf32, #tpu.memory_space<hbm>> -> memref<16x1024xf32, #tpu.memory_space<hbm>>
    %dma_start3A_111 = arith.constant 0 : i32
    %dma_start3A_112 = tpu.memref_slice %arg7[%add3A_108, %dma_start3A_111] : memref<2048x1024xf32, #tpu.memory_space<hbm>> -> memref<16x1024xf32, #tpu.memory_space<hbm>>
    tpu.enqueue_dma source(%arg16 : memref<16x1024xf32, #tpu.memory_space<vmem>>) target(%dma_start3A_112 : memref<16x1024xf32, #tpu.memory_space<hbm>>) target_semaphore(%arg26 : memref<!tpu.dma_semaphore, #tpu.memory_space<semaphore_mem>>)
    %dma_wait3A_113 = arith.constant 48 : i32
    %dma_wait3A_114 = tpu.memref_slice %arg8[%dma_wait3A_113] : memref<64xi32, #tpu.memory_space<vmem>> -> memref<16xi32, #tpu.memory_space<vmem>>
    %dma_wait3A_115 = arith.constant 0 : i32
    %dma_wait3A_116 = arith.constant 0 : i32
    %dma_wait3A_117 = tpu.memref_slice %arg2[%dma_wait3A_115, %dma_wait3A_116] : memref<8192x1024xf32, #tpu.memory_space<hbm>> -> memref<8192x1024xf32, #tpu.memory_space<hbm>>
    tpu.wait_indirect_dma semaphore(%arg18 : memref<!tpu.dma_semaphore, #tpu.memory_space<semaphore_mem>>) src(%dma_wait3A_117 : memref<8192x1024xf32, #tpu.memory_space<hbm>>) dst(%arg12 : memref<16x1024xf32, #tpu.memory_space<vmem>>)
    %dma_wait3A_118 = arith.constant 48 : i32
    %dma_wait3A_119 = tpu.memref_slice %arg9[%dma_wait3A_118] : memref<64xi32, #tpu.memory_space<vmem>> -> memref<16xi32, #tpu.memory_space<vmem>>
    %dma_wait3A_120 = arith.constant 0 : i32
    %dma_wait3A_121 = arith.constant 0 : i32
    %dma_wait3A_122 = tpu.memref_slice %arg2[%dma_wait3A_120, %dma_wait3A_121] : memref<8192x1024xf32, #tpu.memory_space<hbm>> -> memref<8192x1024xf32, #tpu.memory_space<hbm>>
    tpu.wait_indirect_dma semaphore(%arg19 : memref<!tpu.dma_semaphore, #tpu.memory_space<semaphore_mem>>) src(%dma_wait3A_122 : memref<8192x1024xf32, #tpu.memory_space<hbm>>) dst(%arg13 : memref<16x1024xf32, #tpu.memory_space<vmem>>)
    %scan3A_123 = arith.constant 0 : i32
    %scan3A_124 = arith.constant 0 : i32
    %scan3A_125 = arith.constant 16 : i32
    %scan3A_126 = arith.addi %scan3A_124, %scan3A_125 : i32
    %scan3A_127 = arith.constant 1 : i32
    %scan3A_128 = scf.for %scan3A_148 = %scan3A_124 to %scan3A_126 step %scan3A_127 iter_args(%scan3A_149 = %scan3A_123) -> (i32)  : i32 {
      %add3A_150 = arith.constant 48 : i32
      %add3A_151 = arith.addi %add3A_150, %scan3A_148 : i32
      %get3A = arith.index_cast %add3A_151 : i32 to index
      %get3A_152 = arith.constant 0 : index
      %get3A_153 = tpu.vector_load %arg10[%get3A, %get3A_152] {strides = array<i32>} : memref<64x16xf32, #tpu.memory_space<vmem>>, vector<1x16xf32>,
      %get3A_154 = vector.shape_cast %get3A_153 : vector<1x16xf32> to vector<16xf32>
      %get3A_155 = arith.index_cast %add3A_151 : i32 to index
      %get3A_156 = arith.constant 0 : index
      %get3A_157 = tpu.vector_load %arg11[%get3A_155, %get3A_156] {strides = array<i32>} : memref<64x16xf32, #tpu.memory_space<vmem>>, vector<1x16xf32>,
      %get3A_158 = vector.shape_cast %get3A_157 : vector<1x16xf32> to vector<16xf32>
      %scan3A_159 = arith.constant 0 : i32
      %scan3A_160 = arith.constant 0 : i32
      %scan3A_161 = arith.constant 64 : i32
      %scan3A_162 = arith.addi %scan3A_160, %scan3A_161 : i32
      %scan3A_163 = arith.constant 1 : i32
      %scan3A_164 = scf.for %scan3A_166 = %scan3A_160 to %scan3A_162 step %scan3A_163 iter_args(%scan3A_167 = %scan3A_159) -> (i32)  : i32 {
        %mul3A_168 = arith.constant 16 : i32
        %mul3A_169 = arith.muli %scan3A_166, %mul3A_168 : i32
        %get3A_170 = arith.index_cast %scan3A_148 : i32 to index
        %get3A_171 = arith.index_cast %mul3A_169 : i32 to index
        %get3A_172 = tpu.vector_load %arg12[%get3A_170, %get3A_171] {strides = array<i32>} : memref<16x1024xf32, #tpu.memory_space<vmem>>, vector<1x16xf32>,
        %get3A_173 = vector.shape_cast %get3A_172 : vector<1x16xf32> to vector<16xf32>
        %mul3A_174 = arith.mulf %get3A_173, %get3A_154 : vector<16xf32>
        %get3A_175 = arith.index_cast %scan3A_148 : i32 to index
        %get3A_176 = arith.index_cast %mul3A_169 : i32 to index
        %get3A_177 = tpu.vector_load %arg13[%get3A_175, %get3A_176] {strides = array<i32>} : memref<16x1024xf32, #tpu.memory_space<vmem>>, vector<1x16xf32>,
        %get3A_178 = vector.shape_cast %get3A_177 : vector<1x16xf32> to vector<16xf32>
        %mul3A_179 = arith.mulf %get3A_178, %get3A_158 : vector<16xf32>
        %add3A_180 = arith.addf %mul3A_174, %mul3A_179 : vector<16xf32>
        %swap3A = arith.index_cast %scan3A_148 : i32 to index
        %swap3A_181 = arith.index_cast %mul3A_169 : i32 to index
        %swap3A_182 = tpu.vector_load %arg12[%swap3A, %swap3A_181] {strides = array<i32>} : memref<16x1024xf32, #tpu.memory_space<vmem>>, vector<1x16xf32>,
        %swap3A_183 = vector.shape_cast %swap3A_182 : vector<1x16xf32> to vector<16xf32>
        %swap3A_184 = vector.shape_cast %add3A_180 : vector<16xf32> to vector<1x16xf32>
        tpu.vector_store %arg12[%swap3A, %swap3A_181], %swap3A_184 {strides = array<i32>} : memref<16x1024xf32, #tpu.memory_space<vmem>>, vector<1x16xf32>,
        %scan3A_185 = arith.constant 0 : i32
        scf.yield %scan3A_185 : i32
      }
      %scan3A_165 = arith.constant 64 : i32
      scf.yield %scan3A_164 : i32
    }
    %scan3A_129 = arith.constant 16 : i32
    %add3A_130 = arith.constant 48 : i32
    %add3A_131 = arith.addi %mul3A_2, %add3A_130 : i32
    %dma_start3A_132 = arith.constant 0 : i32
    %dma_start3A_133 = tpu.memref_slice %arg7[%add3A_131, %dma_start3A_132] : memref<2048x1024xf32, #tpu.memory_space<hbm>> -> memref<16x1024xf32, #tpu.memory_space<hbm>>
    %dma_start3A_134 = arith.constant 0 : i32
    %dma_start3A_135 = tpu.memref_slice %arg7[%add3A_131, %dma_start3A_134] : memref<2048x1024xf32, #tpu.memory_space<hbm>> -> memref<16x1024xf32, #tpu.memory_space<hbm>>
    tpu.enqueue_dma source(%arg12 : memref<16x1024xf32, #tpu.memory_space<vmem>>) target(%dma_start3A_135 : memref<16x1024xf32, #tpu.memory_space<hbm>>) target_semaphore(%arg24 : memref<!tpu.dma_semaphore, #tpu.memory_space<semaphore_mem>>)
    %dma_wait3A_136 = arith.constant 0 : i32
    %dma_wait3A_137 = tpu.memref_slice %arg7[%add3A_85, %dma_wait3A_136] : memref<2048x1024xf32, #tpu.memory_space<hbm>> -> memref<16x1024xf32, #tpu.memory_space<hbm>>
    %dma_wait3A_138 = arith.constant 0 : i32
    %dma_wait3A_139 = tpu.memref_slice %arg7[%add3A_85, %dma_wait3A_138] : memref<2048x1024xf32, #tpu.memory_space<hbm>> -> memref<16x1024xf32, #tpu.memory_space<hbm>>
    tpu.wait_dma2 semaphore(%arg25 : memref<!tpu.dma_semaphore, #tpu.memory_space<semaphore_mem>>) src(%arg14 : memref<16x1024xf32, #tpu.memory_space<vmem>>) dst(%dma_wait3A_139 : memref<16x1024xf32, #tpu.memory_space<hbm>>)
    %dma_wait3A_140 = arith.constant 0 : i32
    %dma_wait3A_141 = tpu.memref_slice %arg7[%add3A_108, %dma_wait3A_140] : memref<2048x1024xf32, #tpu.memory_space<hbm>> -> memref<16x1024xf32, #tpu.memory_space<hbm>>
    %dma_wait3A_142 = arith.constant 0 : i32
    %dma_wait3A_143 = tpu.memref_slice %arg7[%add3A_108, %dma_wait3A_142] : memref<2048x1024xf32, #tpu.memory_space<hbm>> -> memref<16x1024xf32, #tpu.memory_space<hbm>>
    tpu.wait_dma2 semaphore(%arg26 : memref<!tpu.dma_semaphore, #tpu.memory_space<semaphore_mem>>) src(%arg16 : memref<16x1024xf32, #tpu.memory_space<vmem>>) dst(%dma_wait3A_143 : memref<16x1024xf32, #tpu.memory_space<hbm>>)
    %dma_wait3A_144 = arith.constant 0 : i32
    %dma_wait3A_145 = tpu.memref_slice %arg7[%add3A_131, %dma_wait3A_144] : memref<2048x1024xf32, #tpu.memory_space<hbm>> -> memref<16x1024xf32, #tpu.memory_space<hbm>>
    %dma_wait3A_146 = arith.constant 0 : i32
    %dma_wait3A_147 = tpu.memref_slice %arg7[%add3A_131, %dma_wait3A_146] : memref<2048x1024xf32, #tpu.memory_space<hbm>> -> memref<16x1024xf32, #tpu.memory_space<hbm>>
    tpu.wait_dma2 semaphore(%arg24 : memref<!tpu.dma_semaphore, #tpu.memory_space<semaphore_mem>>) src(%arg12 : memref<16x1024xf32, #tpu.memory_space<vmem>>) dst(%dma_wait3A_147 : memref<16x1024xf32, #tpu.memory_space<hbm>>)
    return
  }
}

#map = affine_map<(d0, d1) -> (0, 0)>
#map1 = affine_map<(d0, d1) -> (0, 0, 0)>
module attributes {stable_mosaic.version = 14 : i64} {
  func.func @_sc_dispatch(%arg0: i32, %arg1: i32, %arg2: memref<2048x512xi32, #tpu.memory_space<hbm>>, %arg3: memref<32x2x64xi32, #tpu.memory_space<hbm>>, %arg4: memref<8192x512xi32, #tpu.memory_space<hbm>>, %arg5: memref<64x512xi32, #tpu.memory_space<vmem>>, %arg6: memref<2x64xi32, #tpu.memory_space<vmem>>, %arg7: memref<!tpu.dma_semaphore, #tpu.memory_space<semaphore_mem>>, %arg8: memref<!tpu.dma_semaphore, #tpu.memory_space<semaphore_mem>>) attributes {dimension_semantics = [#tpu.dimension_semantics<core_parallel>, #tpu.dimension_semantics<subcore_parallel>], iteration_bounds = array<i64: 2, 16>, scalar_prefetch = 0 : i64, scratch_operands = 4 : i64, tpu.core_type = #tpu.core_type<sc_vector_subcore>, window_params = [{transform_indices = #map}, {transform_indices = #map1}, {transform_indices = #map}]} {
    %mul3A = arith.constant 2 : i32
    %mul3A_0 = arith.muli %arg1, %mul3A : i32
    %add3A = arith.addi %mul3A_0, %arg0 : i32
    %mul3A_1 = arith.constant 64 : i32
    %mul3A_2 = arith.muli %add3A, %mul3A_1 : i32
    "tpu.region"() ({
      %run_scoped3A = tpu.sem_alloc : memref<!tpu.dma_semaphore, #tpu.memory_space<semaphore_mem>>
      %dma_start3A_29 = arith.constant 0 : i32
      %dma_start3A_30 = tpu.memref_slice %arg2[%mul3A_2, %dma_start3A_29] : memref<2048x512xi32, #tpu.memory_space<hbm>> -> memref<64x512xi32, #tpu.memory_space<hbm>>
      %dma_start3A_31 = arith.constant 0 : i32
      %dma_start3A_32 = tpu.memref_slice %arg2[%mul3A_2, %dma_start3A_31] : memref<2048x512xi32, #tpu.memory_space<hbm>> -> memref<64x512xi32, #tpu.memory_space<hbm>>
      tpu.enqueue_dma source(%dma_start3A_32 : memref<64x512xi32, #tpu.memory_space<hbm>>) target(%arg5 : memref<64x512xi32, #tpu.memory_space<vmem>>) target_semaphore(%run_scoped3A : memref<!tpu.dma_semaphore, #tpu.memory_space<semaphore_mem>>)
      %dma_wait3A_33 = arith.constant 0 : i32
      %dma_wait3A_34 = tpu.memref_slice %arg2[%mul3A_2, %dma_wait3A_33] : memref<2048x512xi32, #tpu.memory_space<hbm>> -> memref<64x512xi32, #tpu.memory_space<hbm>>
      %dma_wait3A_35 = arith.constant 0 : i32
      %dma_wait3A_36 = tpu.memref_slice %arg2[%mul3A_2, %dma_wait3A_35] : memref<2048x512xi32, #tpu.memory_space<hbm>> -> memref<64x512xi32, #tpu.memory_space<hbm>>
      tpu.wait_dma2 semaphore(%run_scoped3A : memref<!tpu.dma_semaphore, #tpu.memory_space<semaphore_mem>>) src(%dma_wait3A_36 : memref<64x512xi32, #tpu.memory_space<hbm>>) dst(%arg5 : memref<64x512xi32, #tpu.memory_space<vmem>>)
      tpu.yield
    }) : () -> ()
    "tpu.region"() ({
      %run_scoped3A = tpu.sem_alloc : memref<!tpu.dma_semaphore, #tpu.memory_space<semaphore_mem>>
      %dma_start3A_29 = arith.constant 0 : i32
      %dma_start3A_30 = arith.constant 0 : i32
      %dma_start3A_31 = tpu.memref_slice %arg3[%add3A, %dma_start3A_29, %dma_start3A_30] : memref<32x2x64xi32, #tpu.memory_space<hbm>> -> memref<1x2x64xi32, #tpu.memory_space<hbm>>
      %dma_start3A_32 = tpu.memref_squeeze %dma_start3A_31 : memref<1x2x64xi32, #tpu.memory_space<hbm>> -> memref<2x64xi32, #tpu.memory_space<hbm>>
      %dma_start3A_33 = arith.constant 0 : i32
      %dma_start3A_34 = arith.constant 0 : i32
      %dma_start3A_35 = tpu.memref_slice %arg3[%add3A, %dma_start3A_33, %dma_start3A_34] : memref<32x2x64xi32, #tpu.memory_space<hbm>> -> memref<1x2x64xi32, #tpu.memory_space<hbm>>
      %dma_start3A_36 = tpu.memref_squeeze %dma_start3A_35 : memref<1x2x64xi32, #tpu.memory_space<hbm>> -> memref<2x64xi32, #tpu.memory_space<hbm>>
      tpu.enqueue_dma source(%dma_start3A_36 : memref<2x64xi32, #tpu.memory_space<hbm>>) target(%arg6 : memref<2x64xi32, #tpu.memory_space<vmem>>) target_semaphore(%run_scoped3A : memref<!tpu.dma_semaphore, #tpu.memory_space<semaphore_mem>>)
      %dma_wait3A_37 = arith.constant 0 : i32
      %dma_wait3A_38 = arith.constant 0 : i32
      %dma_wait3A_39 = tpu.memref_slice %arg3[%add3A, %dma_wait3A_37, %dma_wait3A_38] : memref<32x2x64xi32, #tpu.memory_space<hbm>> -> memref<1x2x64xi32, #tpu.memory_space<hbm>>
      %dma_wait3A_40 = tpu.memref_squeeze %dma_wait3A_39 : memref<1x2x64xi32, #tpu.memory_space<hbm>> -> memref<2x64xi32, #tpu.memory_space<hbm>>
      %dma_wait3A_41 = arith.constant 0 : i32
      %dma_wait3A_42 = arith.constant 0 : i32
      %dma_wait3A_43 = tpu.memref_slice %arg3[%add3A, %dma_wait3A_41, %dma_wait3A_42] : memref<32x2x64xi32, #tpu.memory_space<hbm>> -> memref<1x2x64xi32, #tpu.memory_space<hbm>>
      %dma_wait3A_44 = tpu.memref_squeeze %dma_wait3A_43 : memref<1x2x64xi32, #tpu.memory_space<hbm>> -> memref<2x64xi32, #tpu.memory_space<hbm>>
      tpu.wait_dma2 semaphore(%run_scoped3A : memref<!tpu.dma_semaphore, #tpu.memory_space<semaphore_mem>>) src(%dma_wait3A_44 : memref<2x64xi32, #tpu.memory_space<hbm>>) dst(%arg6 : memref<2x64xi32, #tpu.memory_space<vmem>>)
      tpu.yield
    }) : () -> ()
    %dma_start3A = arith.constant 0 : i32
    %dma_start3A_3 = arith.constant 0 : i32
    %dma_start3A_4 = tpu.memref_slice %arg6[%dma_start3A, %dma_start3A_3] : memref<2x64xi32, #tpu.memory_space<vmem>> -> memref<1x64xi32, #tpu.memory_space<vmem>>
    %dma_start3A_5 = tpu.memref_squeeze %dma_start3A_4 : memref<1x64xi32, #tpu.memory_space<vmem>> -> memref<64xi32, #tpu.memory_space<vmem>>
    %dma_start3A_6 = arith.constant 0 : i32
    %dma_start3A_7 = arith.constant 0 : i32
    %dma_start3A_8 = tpu.memref_slice %arg4[%dma_start3A_6, %dma_start3A_7] : memref<8192x512xi32, #tpu.memory_space<hbm>> -> memref<8192x512xi32, #tpu.memory_space<hbm>>
    tpu.enqueue_indirect_dma source(%arg5 : memref<64x512xi32, #tpu.memory_space<vmem>>) target(%dma_start3A_8 : memref<8192x512xi32, #tpu.memory_space<hbm>>) offsets(%dma_start3A_5 : memref<64xi32, #tpu.memory_space<vmem>>) semaphore(%arg7 : memref<!tpu.dma_semaphore, #tpu.memory_space<semaphore_mem>>)
    %dma_start3A_9 = arith.constant 1 : i32
    %dma_start3A_10 = arith.constant 0 : i32
    %dma_start3A_11 = tpu.memref_slice %arg6[%dma_start3A_9, %dma_start3A_10] : memref<2x64xi32, #tpu.memory_space<vmem>> -> memref<1x64xi32, #tpu.memory_space<vmem>>
    %dma_start3A_12 = tpu.memref_squeeze %dma_start3A_11 : memref<1x64xi32, #tpu.memory_space<vmem>> -> memref<64xi32, #tpu.memory_space<vmem>>
    %dma_start3A_13 = arith.constant 0 : i32
    %dma_start3A_14 = arith.constant 0 : i32
    %dma_start3A_15 = tpu.memref_slice %arg4[%dma_start3A_13, %dma_start3A_14] : memref<8192x512xi32, #tpu.memory_space<hbm>> -> memref<8192x512xi32, #tpu.memory_space<hbm>>
    tpu.enqueue_indirect_dma source(%arg5 : memref<64x512xi32, #tpu.memory_space<vmem>>) target(%dma_start3A_15 : memref<8192x512xi32, #tpu.memory_space<hbm>>) offsets(%dma_start3A_12 : memref<64xi32, #tpu.memory_space<vmem>>) semaphore(%arg8 : memref<!tpu.dma_semaphore, #tpu.memory_space<semaphore_mem>>)
    %dma_wait3A = arith.constant 0 : i32
    %dma_wait3A_16 = arith.constant 0 : i32
    %dma_wait3A_17 = tpu.memref_slice %arg6[%dma_wait3A, %dma_wait3A_16] : memref<2x64xi32, #tpu.memory_space<vmem>> -> memref<1x64xi32, #tpu.memory_space<vmem>>
    %dma_wait3A_18 = tpu.memref_squeeze %dma_wait3A_17 : memref<1x64xi32, #tpu.memory_space<vmem>> -> memref<64xi32, #tpu.memory_space<vmem>>
    %dma_wait3A_19 = arith.constant 0 : i32
    %dma_wait3A_20 = arith.constant 0 : i32
    %dma_wait3A_21 = tpu.memref_slice %arg4[%dma_wait3A_19, %dma_wait3A_20] : memref<8192x512xi32, #tpu.memory_space<hbm>> -> memref<8192x512xi32, #tpu.memory_space<hbm>>
    tpu.wait_indirect_dma semaphore(%arg7 : memref<!tpu.dma_semaphore, #tpu.memory_space<semaphore_mem>>) src(%arg5 : memref<64x512xi32, #tpu.memory_space<vmem>>) dst(%dma_wait3A_21 : memref<8192x512xi32, #tpu.memory_space<hbm>>)
    %dma_wait3A_22 = arith.constant 1 : i32
    %dma_wait3A_23 = arith.constant 0 : i32
    %dma_wait3A_24 = tpu.memref_slice %arg6[%dma_wait3A_22, %dma_wait3A_23] : memref<2x64xi32, #tpu.memory_space<vmem>> -> memref<1x64xi32, #tpu.memory_space<vmem>>
    %dma_wait3A_25 = tpu.memref_squeeze %dma_wait3A_24 : memref<1x64xi32, #tpu.memory_space<vmem>> -> memref<64xi32, #tpu.memory_space<vmem>>
    %dma_wait3A_26 = arith.constant 0 : i32
    %dma_wait3A_27 = arith.constant 0 : i32
    %dma_wait3A_28 = tpu.memref_slice %arg4[%dma_wait3A_26, %dma_wait3A_27] : memref<8192x512xi32, #tpu.memory_space<hbm>> -> memref<8192x512xi32, #tpu.memory_space<hbm>>
    tpu.wait_indirect_dma semaphore(%arg8 : memref<!tpu.dma_semaphore, #tpu.memory_space<semaphore_mem>>) src(%arg5 : memref<64x512xi32, #tpu.memory_space<vmem>>) dst(%dma_wait3A_28 : memref<8192x512xi32, #tpu.memory_space<hbm>>)
    return
  }
}

module attributes {stable_mosaic.version = 14 : i64} {
  func.func @_gating_body(%arg0: memref<2048x1024xf32, #tpu.memory_space<vmem>>, %arg1: memref<1024x128xf32, #tpu.memory_space<vmem>>, %arg2: memref<2048x128xi32, #tpu.memory_space<vmem>>, %arg3: memref<2048x128xf32, #tpu.memory_space<vmem>>, %arg4: memref<8x128xf32, #tpu.memory_space<vmem>>, %arg5: memref<2048x512xi32, #tpu.memory_space<vmem>>) attributes {dimension_semantics = [], scalar_prefetch = 0 : i64, scratch_operands = 0 : i64, tpu.core_type = #tpu.core_type<tc>} {
    %get3A = arith.constant 0 : index
    %get3A_0 = arith.constant 0 : index
    %get3A_1 = vector.load %arg0[%get3A, %get3A_0] : memref<2048x1024xf32, #tpu.memory_space<vmem>>, vector<2048x1024xf32>
    %convert_element_type3A = arith.truncf %get3A_1 : vector<2048x1024xf32> to vector<2048x1024xbf16>
    %slice3A = vector.extract_strided_slice %convert_element_type3A {offsets = [0, 0], sizes = [2048, 512], strides = [1, 1]} : vector<2048x1024xbf16> to vector<2048x512xbf16>
    %bitcast_convert_type3A = tpu.bitcast %slice3A : vector<2048x512xbf16> -> vector<2048x512xi16>
    %convert_element_type3A_2 = arith.extui %bitcast_convert_type3A : vector<2048x512xi16> to vector<2048x512xi32>
    %slice3A_3 = vector.extract_strided_slice %convert_element_type3A {offsets = [0, 512], sizes = [2048, 512], strides = [1, 1]} : vector<2048x1024xbf16> to vector<2048x512xbf16>
    %bitcast_convert_type3A_4 = tpu.bitcast %slice3A_3 : vector<2048x512xbf16> -> vector<2048x512xi16>
    %convert_element_type3A_5 = arith.extui %bitcast_convert_type3A_4 : vector<2048x512xi16> to vector<2048x512xi32>
    %shift_left3A = arith.constant 16 : i32
    %shift_left3A_6 = vector.broadcast %shift_left3A : i32 to vector<2048x512xi32>
    %shift_left3A_7 = arith.shli %convert_element_type3A_5, %shift_left3A_6 : vector<2048x512xi32>
    %or3A = arith.ori %shift_left3A_7, %convert_element_type3A_2 : vector<2048x512xi32>
    %bitcast_convert_type3A_8 = tpu.bitcast %or3A : vector<2048x512xi32> -> vector<2048x512xi32>
    %swap3A = arith.constant 0 : index
    %swap3A_9 = arith.constant 0 : index
    %swap3A_10 = vector.load %arg5[%swap3A, %swap3A_9] : memref<2048x512xi32, #tpu.memory_space<vmem>>, vector<2048x512xi32>
    tpu.vector_store %arg5[%swap3A, %swap3A_9], %bitcast_convert_type3A_8 {strides = array<i32>} : memref<2048x512xi32, #tpu.memory_space<vmem>>, vector<2048x512xi32>,
    %get3A_11 = arith.constant 0 : index
    %get3A_12 = arith.constant 0 : index
    %get3A_13 = vector.load %arg1[%get3A_11, %get3A_12] : memref<1024x128xf32, #tpu.memory_space<vmem>>, vector<1024x128xf32>
    %dot_general3A = arith.constant dense<0.000000e+00> : vector<2048x128xf32>
    %dot_general3A_14 = tpu.matmul %get3A_1, %get3A_13, %dot_general3A {dimension_numbers = #tpu.dot_dimension_numbers<[1], [0], [0], [1], [0, 0, 1, 1], [], []>, transpose_lhs_hint = false} : vector<2048x1024xf32>, vector<1024x128xf32>, vector<2048x128xf32> -> vector<2048x128xf32>
    %iota3A = tpu.iota {dimensions = array<i32: 1>} : vector<2048x128xi32>
    %lt3A = arith.constant 8 : i32
    %lt3A_15 = vector.broadcast %lt3A : i32 to vector<2048x128xi32>
    %lt3A_16 = arith.cmpi slt, %iota3A, %lt3A_15 : vector<2048x128xi32>
    %jit3A = arith.constant 0xFF800000 : f32
    %broadcast_in_dim3A = vector.broadcast %jit3A : f32 to vector<2048x128xf32>
    %select_n3A = arith.select %lt3A_16, %dot_general3A_14, %broadcast_in_dim3A : vector<2048x128xi1>, vector<2048x128xf32>
    %reduce_max3A = arith.constant dense<0xFF800000> : vector<2048xf32>
    %reduce_max3A_17 = vector.multi_reduction <maximumf>, %select_n3A, %reduce_max3A [1] : vector<2048x128xf32> to vector<2048xf32>
    %broadcast_in_dim3A_18 = vector.shape_cast %reduce_max3A_17 : vector<2048xf32> to vector<2048x1xf32>
    %eq3A = vector.broadcast %broadcast_in_dim3A_18 : vector<2048x1xf32> to vector<2048x128xf32>
    %eq3A_19 = arith.cmpf oeq, %select_n3A, %eq3A : vector<2048x128xf32>
    %jit3A_20 = arith.constant 128 : i32
    %broadcast_in_dim3A_21 = vector.broadcast %jit3A_20 : i32 to vector<2048x128xi32>
    %select_n3A_22 = arith.select %eq3A_19, %iota3A, %broadcast_in_dim3A_21 : vector<2048x128xi1>, vector<2048x128xi32>
    %reduce_min3A = arith.constant dense<2147483647> : vector<2048xi32>
    %reduce_min3A_23 = vector.multi_reduction <minsi>, %select_n3A_22, %reduce_min3A [1] : vector<2048x128xi32> to vector<2048xi32>
    %broadcast_in_dim3A_24 = vector.shape_cast %reduce_min3A_23 : vector<2048xi32> to vector<2048x1xi32>
    %eq3A_25 = vector.broadcast %broadcast_in_dim3A_24 : vector<2048x1xi32> to vector<2048x128xi32>
    %eq3A_26 = arith.cmpi eq, %iota3A, %eq3A_25 : vector<2048x128xi32>
    %jit3A_27 = arith.constant 0xFF800000 : f32
    %broadcast_in_dim3A_28 = vector.broadcast %jit3A_27 : f32 to vector<2048x128xf32>
    %select_n3A_29 = arith.select %eq3A_26, %broadcast_in_dim3A_28, %select_n3A : vector<2048x128xi1>, vector<2048x128xf32>
    %reduce_max3A_30 = arith.constant dense<0xFF800000> : vector<2048xf32>
    %reduce_max3A_31 = vector.multi_reduction <maximumf>, %select_n3A_29, %reduce_max3A_30 [1] : vector<2048x128xf32> to vector<2048xf32>
    %broadcast_in_dim3A_32 = vector.shape_cast %reduce_max3A_31 : vector<2048xf32> to vector<2048x1xf32>
    %eq3A_33 = vector.broadcast %broadcast_in_dim3A_32 : vector<2048x1xf32> to vector<2048x128xf32>
    %eq3A_34 = arith.cmpf oeq, %select_n3A_29, %eq3A_33 : vector<2048x128xf32>
    %jit3A_35 = arith.constant 128 : i32
    %broadcast_in_dim3A_36 = vector.broadcast %jit3A_35 : i32 to vector<2048x128xi32>
    %select_n3A_37 = arith.select %eq3A_34, %iota3A, %broadcast_in_dim3A_36 : vector<2048x128xi1>, vector<2048x128xi32>
    %reduce_min3A_38 = arith.constant dense<2147483647> : vector<2048xi32>
    %reduce_min3A_39 = vector.multi_reduction <minsi>, %select_n3A_37, %reduce_min3A_38 [1] : vector<2048x128xi32> to vector<2048xi32>
    %broadcast_in_dim3A_40 = vector.shape_cast %reduce_min3A_39 : vector<2048xi32> to vector<2048x1xi32>
    %sub3A = arith.subf %broadcast_in_dim3A_32, %broadcast_in_dim3A_18 : vector<2048x1xf32>
    %exp3A = math.exp %sub3A : vector<2048x1xf32>
    %add3A = arith.constant 1.000000e+00 : f32
    %add3A_41 = vector.broadcast %add3A : f32 to vector<2048x1xf32>
    %add3A_42 = arith.addf %add3A_41, %exp3A : vector<2048x1xf32>
    %div3A = arith.constant 1.000000e+00 : f32
    %div3A_43 = vector.broadcast %div3A : f32 to vector<2048x1xf32>
    %div3A_44 = arith.divf %div3A_43, %add3A_42 : vector<2048x1xf32>
    %add3A_45 = arith.constant 1.000000e+00 : f32
    %add3A_46 = vector.broadcast %add3A_45 : f32 to vector<2048x1xf32>
    %add3A_47 = arith.addf %add3A_46, %exp3A : vector<2048x1xf32>
    %div3A_48 = arith.divf %exp3A, %add3A_47 : vector<2048x1xf32>
    %eq3A_49 = vector.broadcast %broadcast_in_dim3A_24 : vector<2048x1xi32> to vector<2048x128xi32>
    %eq3A_50 = arith.cmpi eq, %iota3A, %eq3A_49 : vector<2048x128xi32>
    %jit3A_51 = arith.constant 0.000000e+00 : f32
    %broadcast_in_dim3A_52 = vector.shape_cast %div3A_44 : vector<2048x1xf32> to vector<2048x1xf32>
    %broadcast_in_dim3A_53 = vector.broadcast %broadcast_in_dim3A_52 : vector<2048x1xf32> to vector<2048x128xf32>
    %broadcast_in_dim3A_54 = vector.broadcast %jit3A_51 : f32 to vector<2048x128xf32>
    %select_n3A_55 = arith.select %eq3A_50, %broadcast_in_dim3A_53, %broadcast_in_dim3A_54 : vector<2048x128xi1>, vector<2048x128xf32>
    %eq3A_56 = vector.broadcast %broadcast_in_dim3A_40 : vector<2048x1xi32> to vector<2048x128xi32>
    %eq3A_57 = arith.cmpi eq, %iota3A, %eq3A_56 : vector<2048x128xi32>
    %jit3A_58 = arith.constant 0.000000e+00 : f32
    %broadcast_in_dim3A_59 = vector.shape_cast %div3A_48 : vector<2048x1xf32> to vector<2048x1xf32>
    %broadcast_in_dim3A_60 = vector.broadcast %broadcast_in_dim3A_59 : vector<2048x1xf32> to vector<2048x128xf32>
    %broadcast_in_dim3A_61 = vector.broadcast %jit3A_58 : f32 to vector<2048x128xf32>
    %select_n3A_62 = arith.select %eq3A_57, %broadcast_in_dim3A_60, %broadcast_in_dim3A_61 : vector<2048x128xi1>, vector<2048x128xf32>
    %add3A_63 = arith.addf %select_n3A_55, %select_n3A_62 : vector<2048x128xf32>
    %lt3A_64 = arith.constant 8 : i32
    %lt3A_65 = vector.broadcast %lt3A_64 : i32 to vector<2048x128xi32>
    %lt3A_66 = arith.cmpi slt, %iota3A, %lt3A_65 : vector<2048x128xi32>
    %jit3A_67 = arith.constant 0.000000e+00 : f32
    %broadcast_in_dim3A_68 = vector.broadcast %jit3A_67 : f32 to vector<2048x128xf32>
    %select_n3A_69 = arith.select %lt3A_66, %add3A_63, %broadcast_in_dim3A_68 : vector<2048x128xi1>, vector<2048x128xf32>
    %eq3A_70 = arith.constant 0 : i32
    %eq3A_71 = vector.broadcast %eq3A_70 : i32 to vector<2048x128xi32>
    %eq3A_72 = arith.cmpi eq, %iota3A, %eq3A_71 : vector<2048x128xi32>
    %eq3A_73 = arith.constant 1 : i32
    %eq3A_74 = vector.broadcast %eq3A_73 : i32 to vector<2048x128xi32>
    %eq3A_75 = arith.cmpi eq, %iota3A, %eq3A_74 : vector<2048x128xi32>
    %jit3A_76 = arith.constant 0 : i32
    %broadcast_in_dim3A_77 = vector.shape_cast %broadcast_in_dim3A_40 : vector<2048x1xi32> to vector<2048x1xi32>
    %broadcast_in_dim3A_78 = vector.broadcast %broadcast_in_dim3A_77 : vector<2048x1xi32> to vector<2048x128xi32>
    %broadcast_in_dim3A_79 = vector.broadcast %jit3A_76 : i32 to vector<2048x128xi32>
    %select_n3A_80 = arith.select %eq3A_75, %broadcast_in_dim3A_78, %broadcast_in_dim3A_79 : vector<2048x128xi1>, vector<2048x128xi32>
    %broadcast_in_dim3A_81 = vector.shape_cast %broadcast_in_dim3A_24 : vector<2048x1xi32> to vector<2048x1xi32>
    %broadcast_in_dim3A_82 = vector.broadcast %broadcast_in_dim3A_81 : vector<2048x1xi32> to vector<2048x128xi32>
    %select_n3A_83 = arith.select %eq3A_72, %broadcast_in_dim3A_82, %select_n3A_80 : vector<2048x128xi1>, vector<2048x128xi32>
    %swap3A_84 = arith.constant 0 : index
    %swap3A_85 = arith.constant 0 : index
    %swap3A_86 = vector.load %arg2[%swap3A_84, %swap3A_85] : memref<2048x128xi32, #tpu.memory_space<vmem>>, vector<2048x128xi32>
    tpu.vector_store %arg2[%swap3A_84, %swap3A_85], %select_n3A_83 {strides = array<i32>} : memref<2048x128xi32, #tpu.memory_space<vmem>>, vector<2048x128xi32>,
    %eq3A_87 = arith.constant 0 : i32
    %eq3A_88 = vector.broadcast %eq3A_87 : i32 to vector<2048x128xi32>
    %eq3A_89 = arith.cmpi eq, %iota3A, %eq3A_88 : vector<2048x128xi32>
    %eq3A_90 = arith.constant 1 : i32
    %eq3A_91 = vector.broadcast %eq3A_90 : i32 to vector<2048x128xi32>
    %eq3A_92 = arith.cmpi eq, %iota3A, %eq3A_91 : vector<2048x128xi32>
    %jit3A_93 = arith.constant 0.000000e+00 : f32
    %broadcast_in_dim3A_94 = vector.shape_cast %div3A_48 : vector<2048x1xf32> to vector<2048x1xf32>
    %broadcast_in_dim3A_95 = vector.broadcast %broadcast_in_dim3A_94 : vector<2048x1xf32> to vector<2048x128xf32>
    %broadcast_in_dim3A_96 = vector.broadcast %jit3A_93 : f32 to vector<2048x128xf32>
    %select_n3A_97 = arith.select %eq3A_92, %broadcast_in_dim3A_95, %broadcast_in_dim3A_96 : vector<2048x128xi1>, vector<2048x128xf32>
    %broadcast_in_dim3A_98 = vector.shape_cast %div3A_44 : vector<2048x1xf32> to vector<2048x1xf32>
    %broadcast_in_dim3A_99 = vector.broadcast %broadcast_in_dim3A_98 : vector<2048x1xf32> to vector<2048x128xf32>
    %select_n3A_100 = arith.select %eq3A_89, %broadcast_in_dim3A_99, %select_n3A_97 : vector<2048x128xi1>, vector<2048x128xf32>
    %swap3A_101 = arith.constant 0 : index
    %swap3A_102 = arith.constant 0 : index
    %swap3A_103 = vector.load %arg3[%swap3A_101, %swap3A_102] : memref<2048x128xf32, #tpu.memory_space<vmem>>, vector<2048x128xf32>
    tpu.vector_store %arg3[%swap3A_101, %swap3A_102], %select_n3A_100 {strides = array<i32>} : memref<2048x128xf32, #tpu.memory_space<vmem>>, vector<2048x128xf32>,
    %slice3A_104 = vector.extract_strided_slice %iota3A {offsets = [0, 0], sizes = [1, 128], strides = [1, 1]} : vector<2048x128xi32> to vector<1x128xi32>
    %lt3A_105 = arith.constant 8 : i32
    %lt3A_106 = vector.broadcast %lt3A_105 : i32 to vector<1x128xi32>
    %lt3A_107 = arith.cmpi slt, %slice3A_104, %lt3A_106 : vector<1x128xi32>
    %convert_element_type3A_108 = arith.extui %lt3A_107 : vector<1x128xi1> to vector<1x128xi32>
    %convert_element_type3A_109 = arith.sitofp %convert_element_type3A_108 : vector<1x128xi32> to vector<1x128xf32>
    %reduce_sum3A = arith.constant dense<0.000000e+00> : vector<128xf32>
    %reduce_sum3A_110 = vector.multi_reduction <add>, %select_n3A_69, %reduce_sum3A [0] : vector<2048x128xf32> to vector<128xf32>
    %broadcast_in_dim3A_111 = vector.shape_cast %reduce_sum3A_110 : vector<128xf32> to vector<1x128xf32>
    %gt3A = arith.constant 0.000000e+00 : f32
    %gt3A_112 = vector.broadcast %gt3A : f32 to vector<2048x128xf32>
    %gt3A_113 = arith.cmpf ogt, %select_n3A_69, %gt3A_112 : vector<2048x128xf32>
    %convert_element_type3A_114 = arith.extui %gt3A_113 : vector<2048x128xi1> to vector<2048x128xi32>
    %convert_element_type3A_115 = arith.sitofp %convert_element_type3A_114 : vector<2048x128xi32> to vector<2048x128xf32>
    %reduce_sum3A_116 = arith.constant dense<0.000000e+00> : vector<128xf32>
    %reduce_sum3A_117 = vector.multi_reduction <add>, %convert_element_type3A_115, %reduce_sum3A_116 [0] : vector<2048x128xf32> to vector<128xf32>
    %broadcast_in_dim3A_118 = vector.shape_cast %reduce_sum3A_117 : vector<128xf32> to vector<1x128xf32>
    %mul3A = arith.mulf %broadcast_in_dim3A_111, %convert_element_type3A_109 : vector<1x128xf32>
    %reduce_sum3A_119 = vector.shape_cast %mul3A : vector<1x128xf32> to vector<1x1x128xf32>
    %reduce_sum3A_120 = arith.constant dense<0.000000e+00> : vector<1xf32>
    %reduce_sum3A_121 = vector.multi_reduction <add>, %reduce_sum3A_119, %reduce_sum3A_120 [1, 2] : vector<1x1x128xf32> to vector<1xf32>
    %reduce_sum3A_122 = vector.shape_cast %reduce_sum3A_121 : vector<1xf32> to vector<1x1x1xf32>
    %reduce_sum3A_123 = vector.extract %reduce_sum3A_122[0, 0, 0] : f32 from vector<1x1x1xf32>
    %div3A_124 = arith.constant 8.000000e+00 : f32
    %div3A_125 = arith.divf %reduce_sum3A_123, %div3A_124 : f32
    %sub3A_126 = vector.broadcast %div3A_125 : f32 to vector<1x128xf32>
    %sub3A_127 = arith.subf %broadcast_in_dim3A_111, %sub3A_126 : vector<1x128xf32>
    %integer_pow3A = arith.mulf %sub3A_127, %sub3A_127 : vector<1x128xf32>
    %mul3A_128 = arith.mulf %integer_pow3A, %convert_element_type3A_109 : vector<1x128xf32>
    %reduce_sum3A_129 = vector.shape_cast %mul3A_128 : vector<1x128xf32> to vector<1x1x128xf32>
    %reduce_sum3A_130 = arith.constant dense<0.000000e+00> : vector<1xf32>
    %reduce_sum3A_131 = vector.multi_reduction <add>, %reduce_sum3A_129, %reduce_sum3A_130 [1, 2] : vector<1x1x128xf32> to vector<1xf32>
    %reduce_sum3A_132 = vector.shape_cast %reduce_sum3A_131 : vector<1xf32> to vector<1x1x1xf32>
    %reduce_sum3A_133 = vector.extract %reduce_sum3A_132[0, 0, 0] : f32 from vector<1x1x1xf32>
    %div3A_134 = arith.constant 7.000000e+00 : f32
    %div3A_135 = arith.divf %reduce_sum3A_133, %div3A_134 : f32
    %mul3A_136 = arith.mulf %div3A_125, %div3A_125 : f32
    %add3A_137 = arith.constant 1.000000e-10 : f32
    %add3A_138 = arith.addf %mul3A_136, %add3A_137 : f32
    %div3A_139 = arith.divf %div3A_135, %add3A_138 : f32
    %mul3A_140 = arith.mulf %broadcast_in_dim3A_118, %convert_element_type3A_109 : vector<1x128xf32>
    %reduce_sum3A_141 = vector.shape_cast %mul3A_140 : vector<1x128xf32> to vector<1x1x128xf32>
    %reduce_sum3A_142 = arith.constant dense<0.000000e+00> : vector<1xf32>
    %reduce_sum3A_143 = vector.multi_reduction <add>, %reduce_sum3A_141, %reduce_sum3A_142 [1, 2] : vector<1x1x128xf32> to vector<1xf32>
    %reduce_sum3A_144 = vector.shape_cast %reduce_sum3A_143 : vector<1xf32> to vector<1x1x1xf32>
    %reduce_sum3A_145 = vector.extract %reduce_sum3A_144[0, 0, 0] : f32 from vector<1x1x1xf32>
    %div3A_146 = arith.constant 8.000000e+00 : f32
    %div3A_147 = arith.divf %reduce_sum3A_145, %div3A_146 : f32
    %sub3A_148 = vector.broadcast %div3A_147 : f32 to vector<1x128xf32>
    %sub3A_149 = arith.subf %broadcast_in_dim3A_118, %sub3A_148 : vector<1x128xf32>
    %integer_pow3A_150 = arith.mulf %sub3A_149, %sub3A_149 : vector<1x128xf32>
    %mul3A_151 = arith.mulf %integer_pow3A_150, %convert_element_type3A_109 : vector<1x128xf32>
    %reduce_sum3A_152 = vector.shape_cast %mul3A_151 : vector<1x128xf32> to vector<1x1x128xf32>
    %reduce_sum3A_153 = arith.constant dense<0.000000e+00> : vector<1xf32>
    %reduce_sum3A_154 = vector.multi_reduction <add>, %reduce_sum3A_152, %reduce_sum3A_153 [1, 2] : vector<1x1x128xf32> to vector<1xf32>
    %reduce_sum3A_155 = vector.shape_cast %reduce_sum3A_154 : vector<1xf32> to vector<1x1x1xf32>
    %reduce_sum3A_156 = vector.extract %reduce_sum3A_155[0, 0, 0] : f32 from vector<1x1x1xf32>
    %div3A_157 = arith.constant 7.000000e+00 : f32
    %div3A_158 = arith.divf %reduce_sum3A_156, %div3A_157 : f32
    %mul3A_159 = arith.mulf %div3A_147, %div3A_147 : f32
    %add3A_160 = arith.constant 1.000000e-10 : f32
    %add3A_161 = arith.addf %mul3A_159, %add3A_160 : f32
    %div3A_162 = arith.divf %div3A_158, %add3A_161 : f32
    %add3A_163 = arith.addf %div3A_139, %div3A_162 : f32
    %mul3A_164 = arith.constant 0.00999999977 : f32
    %mul3A_165 = arith.mulf %add3A_163, %mul3A_164 : f32
    %broadcast_in_dim3A_166 = vector.broadcast %mul3A_165 : f32 to vector<8x128xf32>
    %swap3A_167 = arith.constant 0 : index
    %swap3A_168 = arith.constant 0 : index
    %swap3A_169 = vector.load %arg4[%swap3A_167, %swap3A_168] : memref<8x128xf32, #tpu.memory_space<vmem>>, vector<8x128xf32>
    tpu.vector_store %arg4[%swap3A_167, %swap3A_168], %broadcast_in_dim3A_166 {strides = array<i32>} : memref<8x128xf32, #tpu.memory_space<vmem>>, vector<8x128xf32>,
    return
  }
}

module attributes {stable_mosaic.version = 14 : i64} {
  func.func @_gmm_body(%arg0: i32, %arg1: memref<3x16xi32, #tpu.memory_space<smem>>, %arg2: memref<512x512xi32, #tpu.memory_space<vmem>>, %arg3: memref<1x1024x1024xf32, #tpu.memory_space<vmem>>, %arg4: memref<1x1x1024xf32, #tpu.memory_space<vmem>>, %arg5: memref<1x1024x1024xf32, #tpu.memory_space<vmem>>, %arg6: memref<1x1x1024xf32, #tpu.memory_space<vmem>>, %arg7: memref<512x1024xf32, #tpu.memory_space<vmem>>, %arg8: memref<1024x1024xbf16, #tpu.memory_space<vmem>>, %arg9: memref<1024x1024xbf16, #tpu.memory_space<vmem>>) attributes {dimension_semantics = [#tpu.dimension_semantics<arbitrary>], iteration_bounds = array<i64: 16>, scalar_prefetch = 1 : i64, scratch_operands = 2 : i64, tpu.core_type = #tpu.core_type<tc>, window_params = [{transform_indices = @transform_0, window_bounds = array<i64: 512, 512>}, {transform_indices = @transform_1, window_bounds = array<i64: 1, 1024, 1024>}, {transform_indices = @transform_2, window_bounds = array<i64: 1, 1, 1024>}, {transform_indices = @transform_3, window_bounds = array<i64: 1, 1024, 1024>}, {transform_indices = @transform_4, window_bounds = array<i64: 1, 1, 1024>}, {transform_indices = @transform_5, window_bounds = array<i64: 512, 1024>}]} {
    %get3A = arith.constant 2 : index
    %get3A_0 = arith.index_cast %arg0 : i32 to index
    %get3A_1 = memref.load %arg1[%get3A, %get3A_0] : memref<3x16xi32, #tpu.memory_space<smem>>
    %eq3A = arith.constant 1 : i32
    %eq3A_2 = arith.cmpi eq, %get3A_1, %eq3A : i32
    %sub3A = arith.constant 1 : i32
    %sub3A_3 = arith.subi %arg0, %sub3A : i32
    %max3A = arith.constant 0 : i32
    %max3A_4 = arith.maxsi %sub3A_3, %max3A : i32
    %eq3A_5 = arith.constant 0 : i32
    %eq3A_6 = arith.cmpi eq, %arg0, %eq3A_5 : i32
    %get3A_7 = arith.constant 0 : index
    %get3A_8 = arith.index_cast %arg0 : i32 to index
    %get3A_9 = memref.load %arg1[%get3A_7, %get3A_8] : memref<3x16xi32, #tpu.memory_space<smem>>
    %get3A_10 = arith.constant 0 : index
    %get3A_11 = arith.index_cast %max3A_4 : i32 to index
    %get3A_12 = memref.load %arg1[%get3A_10, %get3A_11] : memref<3x16xi32, #tpu.memory_space<smem>>
    %ne3A = arith.cmpi ne, %get3A_9, %get3A_12 : i32
    %or3A = arith.ori %eq3A_6, %ne3A : i1
    %and3A = arith.andi %eq3A_2, %or3A : i1
    %convert_element_type3A = arith.extui %and3A : i1 to i32
    %cond3A = arith.constant 0 : i32
    %cond3A_13 = arith.cmpi ne, %convert_element_type3A, %cond3A : i32
    scf.if %cond3A_13 {
      %get3A_17 = arith.constant 0 : index
      %get3A_18 = arith.constant 0 : index
      %get3A_19 = arith.constant 0 : index
      %get3A_20 = vector.load %arg3[%get3A_17, %get3A_18, %get3A_19] : memref<1x1024x1024xf32, #tpu.memory_space<vmem>>, vector<1x1024x1024xf32>
      %get3A_21 = vector.shape_cast %get3A_20 : vector<1x1024x1024xf32> to vector<1024x1024xf32>
      %convert_element_type3A_22 = arith.truncf %get3A_21 : vector<1024x1024xf32> to vector<1024x1024xbf16>
      %swap3A = arith.constant 0 : index
      %swap3A_23 = arith.constant 0 : index
      %swap3A_24 = vector.load %arg8[%swap3A, %swap3A_23] : memref<1024x1024xbf16, #tpu.memory_space<vmem>>, vector<1024x1024xbf16>
      tpu.vector_store %arg8[%swap3A, %swap3A_23], %convert_element_type3A_22 {strides = array<i32>} : memref<1024x1024xbf16, #tpu.memory_space<vmem>>, vector<1024x1024xbf16>,
      %get3A_25 = arith.constant 0 : index
      %get3A_26 = arith.constant 0 : index
      %get3A_27 = arith.constant 0 : index
      %get3A_28 = vector.load %arg5[%get3A_25, %get3A_26, %get3A_27] : memref<1x1024x1024xf32, #tpu.memory_space<vmem>>, vector<1x1024x1024xf32>
      %get3A_29 = vector.shape_cast %get3A_28 : vector<1x1024x1024xf32> to vector<1024x1024xf32>
      %convert_element_type3A_30 = arith.truncf %get3A_29 : vector<1024x1024xf32> to vector<1024x1024xbf16>
      %swap3A_31 = arith.constant 0 : index
      %swap3A_32 = arith.constant 0 : index
      %swap3A_33 = vector.load %arg9[%swap3A_31, %swap3A_32] : memref<1024x1024xbf16, #tpu.memory_space<vmem>>, vector<1024x1024xbf16>
      tpu.vector_store %arg9[%swap3A_31, %swap3A_32], %convert_element_type3A_30 {strides = array<i32>} : memref<1024x1024xbf16, #tpu.memory_space<vmem>>, vector<1024x1024xbf16>,
    } else {
    }
    %convert_element_type3A_14 = arith.extui %eq3A_2 : i1 to i32
    %cond3A_15 = arith.constant 0 : i32
    %cond3A_16 = arith.cmpi ne, %convert_element_type3A_14, %cond3A_15 : i32
    scf.if %cond3A_16 {
      %get3A_17 = arith.constant 0 : index
      %get3A_18 = arith.constant 0 : index
      %get3A_19 = vector.load %arg2[%get3A_17, %get3A_18] : memref<512x512xi32, #tpu.memory_space<vmem>>, vector<512x512xi32>
      %bitcast_convert_type3A = tpu.bitcast %get3A_19 : vector<512x512xi32> -> vector<512x512xi32>
      %and3A_20 = arith.constant 65535 : i32
      %and3A_21 = vector.broadcast %and3A_20 : i32 to vector<512x512xi32>
      %and3A_22 = arith.andi %bitcast_convert_type3A, %and3A_21 : vector<512x512xi32>
      %convert_element_type3A_23 = arith.trunci %and3A_22 : vector<512x512xi32> to vector<512x512xi16>
      %bitcast_convert_type3A_24 = tpu.bitcast %convert_element_type3A_23 : vector<512x512xi16> -> vector<512x512xbf16>
      %shift_right_logical3A = arith.constant 16 : i32
      %shift_right_logical3A_25 = vector.broadcast %shift_right_logical3A : i32 to vector<512x512xi32>
      %shift_right_logical3A_26 = arith.shrui %bitcast_convert_type3A, %shift_right_logical3A_25 : vector<512x512xi32>
      %convert_element_type3A_27 = arith.trunci %shift_right_logical3A_26 : vector<512x512xi32> to vector<512x512xi16>
      %bitcast_convert_type3A_28 = tpu.bitcast %convert_element_type3A_27 : vector<512x512xi16> -> vector<512x512xbf16>
      %concatenate3A = tpu.concatenate %bitcast_convert_type3A_24, %bitcast_convert_type3A_28 in 1 : vector<512x512xbf16>, vector<512x512xbf16> -> vector<512x1024xbf16>
      %get3A_29 = arith.constant 0 : index
      %get3A_30 = arith.constant 0 : index
      %get3A_31 = vector.load %arg8[%get3A_29, %get3A_30] : memref<1024x1024xbf16, #tpu.memory_space<vmem>>, vector<1024x1024xbf16>
      %dot_general3A = arith.constant dense<0.000000e+00> : vector<512x1024xf32>
      %dot_general3A_32 = tpu.matmul %concatenate3A, %get3A_31, %dot_general3A {dimension_numbers = #tpu.dot_dimension_numbers<[1], [0], [0], [1], [0, 0, 1, 1], [], []>, transpose_lhs_hint = false} : vector<512x1024xbf16>, vector<1024x1024xbf16>, vector<512x1024xf32> -> vector<512x1024xf32>
      %get3A_33 = arith.constant 0 : index
      %get3A_34 = arith.constant 0 : index
      %get3A_35 = arith.constant 0 : index
      %get3A_36 = vector.load %arg4[%get3A_33, %get3A_34, %get3A_35] : memref<1x1x1024xf32, #tpu.memory_space<vmem>>, vector<1x1x1024xf32>
      %get3A_37 = vector.shape_cast %get3A_36 : vector<1x1x1024xf32> to vector<1x1024xf32>
      %add3A = vector.broadcast %get3A_37 : vector<1x1024xf32> to vector<512x1024xf32>
      %add3A_38 = arith.addf %dot_general3A_32, %add3A : vector<512x1024xf32>
      %max3A_39 = arith.constant 0.000000e+00 : f32
      %max3A_40 = vector.broadcast %max3A_39 : f32 to vector<512x1024xf32>
      %max3A_41 = arith.maximumf %add3A_38, %max3A_40 : vector<512x1024xf32>
      %convert_element_type3A_42 = arith.truncf %max3A_41 : vector<512x1024xf32> to vector<512x1024xbf16>
      %get3A_43 = arith.constant 0 : index
      %get3A_44 = arith.constant 0 : index
      %get3A_45 = vector.load %arg9[%get3A_43, %get3A_44] : memref<1024x1024xbf16, #tpu.memory_space<vmem>>, vector<1024x1024xbf16>
      %dot_general3A_46 = arith.constant dense<0.000000e+00> : vector<512x1024xf32>
      %dot_general3A_47 = tpu.matmul %convert_element_type3A_42, %get3A_45, %dot_general3A_46 {dimension_numbers = #tpu.dot_dimension_numbers<[1], [0], [0], [1], [0, 0, 1, 1], [], []>, transpose_lhs_hint = false} : vector<512x1024xbf16>, vector<1024x1024xbf16>, vector<512x1024xf32> -> vector<512x1024xf32>
      %get3A_48 = arith.constant 0 : index
      %get3A_49 = arith.constant 0 : index
      %get3A_50 = arith.constant 0 : index
      %get3A_51 = vector.load %arg6[%get3A_48, %get3A_49, %get3A_50] : memref<1x1x1024xf32, #tpu.memory_space<vmem>>, vector<1x1x1024xf32>
      %get3A_52 = vector.shape_cast %get3A_51 : vector<1x1x1024xf32> to vector<1x1024xf32>
      %add3A_53 = vector.broadcast %get3A_52 : vector<1x1024xf32> to vector<512x1024xf32>
      %add3A_54 = arith.addf %dot_general3A_47, %add3A_53 : vector<512x1024xf32>
      %swap3A = arith.constant 0 : index
      %swap3A_55 = arith.constant 0 : index
      %swap3A_56 = vector.load %arg7[%swap3A, %swap3A_55] : memref<512x1024xf32, #tpu.memory_space<vmem>>, vector<512x1024xf32>
      tpu.vector_store %arg7[%swap3A, %swap3A_55], %add3A_54 {strides = array<i32>} : memref<512x1024xf32, #tpu.memory_space<vmem>>, vector<512x1024xf32>,
    } else {
    }
    return
  }
  func.func @transform_0(%arg0: i32, %arg1: memref<3x16xi32, #tpu.memory_space<smem>>) -> (i32, i32) {
    %get3A = arith.constant 1 : index
    %get3A_0 = arith.index_cast %arg0 : i32 to index
    %get3A_1 = memref.load %arg1[%get3A, %get3A_0] : memref<3x16xi32, #tpu.memory_space<smem>>
    %c0_i32 = arith.constant 0 : i32
    %c0_i32_2 = arith.constant 0 : i32
    return %get3A_1, %c0_i32 : i32, i32
  }
  func.func @transform_1(%arg0: i32, %arg1: memref<3x16xi32, #tpu.memory_space<smem>>) -> (i32, i32, i32) {
    %get3A = arith.constant 0 : index
    %get3A_0 = arith.index_cast %arg0 : i32 to index
    %get3A_1 = memref.load %arg1[%get3A, %get3A_0] : memref<3x16xi32, #tpu.memory_space<smem>>
    %c0_i32 = arith.constant 0 : i32
    %c0_i32_2 = arith.constant 0 : i32
    %c0_i32_3 = arith.constant 0 : i32
    return %get3A_1, %c0_i32, %c0_i32_2 : i32, i32, i32
  }
  func.func @transform_2(%arg0: i32, %arg1: memref<3x16xi32, #tpu.memory_space<smem>>) -> (i32, i32, i32) {
    %get3A = arith.constant 0 : index
    %get3A_0 = arith.index_cast %arg0 : i32 to index
    %get3A_1 = memref.load %arg1[%get3A, %get3A_0] : memref<3x16xi32, #tpu.memory_space<smem>>
    %c0_i32 = arith.constant 0 : i32
    %c0_i32_2 = arith.constant 0 : i32
    %c0_i32_3 = arith.constant 0 : i32
    return %get3A_1, %c0_i32, %c0_i32_2 : i32, i32, i32
  }
  func.func @transform_3(%arg0: i32, %arg1: memref<3x16xi32, #tpu.memory_space<smem>>) -> (i32, i32, i32) {
    %get3A = arith.constant 0 : index
    %get3A_0 = arith.index_cast %arg0 : i32 to index
    %get3A_1 = memref.load %arg1[%get3A, %get3A_0] : memref<3x16xi32, #tpu.memory_space<smem>>
    %c0_i32 = arith.constant 0 : i32
    %c0_i32_2 = arith.constant 0 : i32
    %c0_i32_3 = arith.constant 0 : i32
    return %get3A_1, %c0_i32, %c0_i32_2 : i32, i32, i32
  }
  func.func @transform_4(%arg0: i32, %arg1: memref<3x16xi32, #tpu.memory_space<smem>>) -> (i32, i32, i32) {
    %get3A = arith.constant 0 : index
    %get3A_0 = arith.index_cast %arg0 : i32 to index
    %get3A_1 = memref.load %arg1[%get3A, %get3A_0] : memref<3x16xi32, #tpu.memory_space<smem>>
    %c0_i32 = arith.constant 0 : i32
    %c0_i32_2 = arith.constant 0 : i32
    %c0_i32_3 = arith.constant 0 : i32
    return %get3A_1, %c0_i32, %c0_i32_2 : i32, i32, i32
  }
  func.func @transform_5(%arg0: i32, %arg1: memref<3x16xi32, #tpu.memory_space<smem>>) -> (i32, i32) {
    %get3A = arith.constant 1 : index
    %get3A_0 = arith.index_cast %arg0 : i32 to index
    %get3A_1 = memref.load %arg1[%get3A, %get3A_0] : memref<3x16xi32, #tpu.memory_space<smem>>
    %c0_i32 = arith.constant 0 : i32
    %c0_i32_2 = arith.constant 0 : i32
    return %get3A_1, %c0_i32 : i32, i32
  }
}

</mosaic_0001>

<sc_bundles>
// kernel: kernel.6.cloned.1.call-start
scs
__scs_entry_jumppad:
0x0: {  	(pc) =	sbr.rel $0x88, $3  }
0x1: {  	(tag) =	ssettag $0x0;
	lr =	simm.s32 $0x1  }
0x2: {  	[smem:$0x3F9B] =	sst lr;
	_ =	strace $0xD0000000  }
0x3: {  	_ = 	snop  }
0x4: {  	_ = 	snop  }
0x5: {  	_ = 	snop  }
0x6: {  	_ = 	snop  }
0x7: {  	_ = 	snop  }
__scs_overlays_trampoline_lowered:
0x8: {  	[smem:$0x3FAA] =	sst s0  }
0x9: {  	[smem:$0x3FAB] =	sst s1  }
0xa: {  	[smem:$0x3FAC] =	sst s2  }
0xb: {  	[smem:$0x3FAD] =	sst s3  }
0xc: {  	[smem:$0x3FAE] =	sst s4  }
0xd: {  	[smem:$0x3FAF] =	sst s5  }
0xe: {  	[smem:$0x3FB0] =	sst s6  }
0xf: {  	[smem:$0x3FB1] =	sst s7  }
0x10: {  	[smem:$0x3FB2] =	sst s8  }
0x11: {  	[smem:$0x3FB3] =	sst s9;
	s0 =	simm.s32 @!p0 $0x0  }
0x12: {  	s1 =	sld [smem:$0x3F99];
	s0 =	simm.s32 @p0 $0x1  }
0x13: {  	[smem:$0x3FB4] =	sst s0;
	s0 =	simm.s32 @!p1 $0x0  }
0x14: {  	s2 =	sld [smem:$0x3F98];
	s0 =	simm.s32 @p1 $0x1  }
0x15: {  	[smem:$0x3FB5] =	sst s0;
	s0 =	simm.s32 @!p2 $0x0  }
0x16: {  	s3 =	sld [smem:$0x3FDB];
	s0 =	simm.s32 @p2 $0x1  }
0x17: {  	s4 =	simm.s32 $0x1BF5;
	[smem:$0x3FB7] =	sst s0  }
0x18: {  	s0 =	sld [smem:$0x3F9A];
	_ =	swait.ge [sflag:s4], $0x0  }
0x19: {  	s7 =	sld [smem:$0x3F9B]  }
0x1a: {  	s8 =	sadd.s32 $0xFFFFE003, lr  }
0x1b: {  	s9 =	sadd.s32 $0xFFFFFEF7, lr;
	s5 =	simm.s32 $0xFFFFFFFF;
	p2 =	slt.u32 s8, $0xFFFFF086  }
0x1c: {  	p1 =	slt.u32 s9, $0xF7A;
	s5 =	simm.s32 @!p2 $0x0  }
0x1d: {  	s5 =	simm.s32 @p1 $0x1;
	p0 =	seq.s32 s7, s2  }
0x1e: {  	s7 =	smul.u32 @!p0 $0xF7A, s2;
	p2 =	seq.s32 @!p0 s5, $0x0  }
0x1f: {  	s9 =	smul.u32 $0xF7A, s1;
	s8 =	simm.s32 @!p0 $0x1BF5;
	p2 =	por !p2, p0  }
0x20: {  	[sflag:s8] =	ssyncset.s32 @!p0 $0xFFFFF086;
	s6 =	sadd.s32 @!p0 s3, s7;
	s7 =	simm.s32 @!p0 $0x108  }
0x21: {  	s3 =	sadd.s32 s3, s9;
	s6 =	sadd.s32 @!p0 $0x88, s6;
	s7 =	simm.s32 @p2 $0x1082  }
0x22: {  	[simem:s7], [sflag:s8] =	dma.local @!p0 [hbm:s6], $0xF7A  }
0x23: {  	s9 =	sor.u32 $0xD0000000, s2;
	s6 =	simm.s32 $0x108;
	_ =	swait.ge @!p0 [sflag:s8], $0x0  }
0x24: {  	s3 =	sadd.s32 $0x88, s3;
	s6 =	simm.s32 @!p1 $0x1082;
	[sflag:s4] =	ssyncset.s32 $0xFFFFF086  }
0x25: {  	[simem:s6], [sflag:s4] =	dma.local [hbm:s3], $0xF7A  }
0x26: {  	[smem:$0x3F9B] =	sst s1;
	(tag) =	ssettag s2;
	_ =	strace s9  }
0x27: {  	s1 =	sld [smem:$0x3FAB]  }
0x28: {  	s2 =	sld [smem:$0x3FAC]  }
0x29: {  	s4 =	sld [smem:$0x3FAE]  }
0x2a: {  	p0 =	seq.s32 s5, $0x0;
	s5 =	sld [smem:$0x3FAF]  }
0x2b: {  	s6 =	sld [smem:$0x3FB0]  }
0x2c: {  	s7 =	sld [smem:$0x3FB1]  }
0x2d: {  	s3 =	simm.s32 $0x108;
	s8 =	sld [smem:$0x3FB2]  }
0x2e: {  	s3 =	simm.s32 @!p0 $0x1082;
	s9 =	sld [smem:$0x3FB3]  }
0x2f: {  	lr =	sadd.s32 s0, s3;
	s0 =	sld [smem:$0x3FAA]  }
0x30: {  	s3 =	sld [smem:$0x3FAD]  }
0x31: {  	[smem:$0x3FB6] =	sst s10  }
0x32: {  	s10 =	sld [smem:$0x3FB4];
	_ =	sdelay $0x3  }
0x33: {  	p0 =	seq.s32 s10, $0x1;
	s10 =	sld [smem:$0x3FB6];
	_ =	sdelay $0x3  }
0x34: {  	[smem:$0x3FB6] =	sst s10  }
0x35: {  	s10 =	sld [smem:$0x3FB5];
	_ =	sdelay $0x3  }
0x36: {  	p1 =	seq.s32 s10, $0x1;
	s10 =	sld [smem:$0x3FB6];
	_ =	sdelay $0x3  }
0x37: {  	[smem:$0x3FB6] =	sst s10  }
0x38: {  	s10 =	sld [smem:$0x3FB7]  }
0x39: {  	_ = 	snop;
	(pc) =	sbr.ind lr, $3  }
0x3a: {  	_ = 	snop  }
0x3b: {  	_ = 	snop  }
0x3c: {  	p2 =	seq.s32 s10, $0x1;
	s10 =	sld [smem:$0x3FB6]  }
0x3d: {  	_ =	shalt  }
0x3e: {  	_ =	shalt  }
0x3f: {  	_ =	shalt  }
0x40: {  	_ =	shalt  }
0x41: {  	_ =	shalt  }
0x42: {  	_ =	shalt  }
0x43: {  	_ =	shalt  }
0x44: {  	_ =	shalt  }
0x45: {  	_ =	shalt  }
0x46: {  	_ =	shalt  }
0x47: {  	_ =	shalt  }
0x48: {  	_ =	shalt  }
0x49: {  	_ =	shalt  }
0x4a: {  	_ =	shalt  }
0x4b: {  	_ =	shalt  }
0x4c: {  	_ =	shalt  }
0x4d: {  	_ =	shalt  }
0x4e: {  	_ =	shalt  }
0x4f: {  	_ =	shalt  }
0x50: {  	_ =	shalt  }
0x51: {  	_ =	shalt  }
0x52: {  	_ =	shalt  }
0x53: {  	_ =	shalt  }
0x54: {  	_ =	shalt  }
0x55: {  	_ =	shalt  }
0x56: {  	_ =	shalt  }
0x57: {  	_ =	shalt  }
0x58: {  	_ =	shalt  }
0x59: {  	_ =	shalt  }
0x5a: {  	_ =	shalt  }
0x5b: {  	_ =	shalt  }
0x5c: {  	_ =	shalt  }
0x5d: {  	_ =	shalt  }
0x5e: {  	_ =	shalt  }
0x5f: {  	_ =	shalt  }
0x60: {  	_ =	shalt  }
0x61: {  	_ =	shalt  }
0x62: {  	_ =	shalt  }
0x63: {  	_ =	shalt  }
0x64: {  	_ =	shalt  }
0x65: {  	_ =	shalt  }
0x66: {  	_ =	shalt  }
0x67: {  	_ =	shalt  }
0x68: {  	_ =	shalt  }
0x69: {  	_ =	shalt  }
0x6a: {  	_ =	shalt  }
0x6b: {  	_ =	shalt  }
0x6c: {  	_ =	shalt  }
0x6d: {  	_ =	shalt  }
0x6e: {  	_ =	shalt  }
0x6f: {  	_ =	shalt  }
0x70: {  	_ =	shalt  }
0x71: {  	_ =	shalt  }
0x72: {  	_ =	shalt  }
0x73: {  	_ =	shalt  }
0x74: {  	_ =	shalt  }
0x75: {  	_ =	shalt  }
0x76: {  	_ =	shalt  }
0x77: {  	_ =	shalt  }
0x78: {  	_ =	shalt  }
0x79: {  	_ =	shalt  }
0x7a: {  	_ =	shalt  }
0x7b: {  	_ =	shalt  }
0x7c: {  	_ =	shalt  }
0x7d: {  	_ =	shalt  }
0x7e: {  	_ =	shalt  }
0x7f: {  	_ =	shalt  }
0x80: {  	_ =	shalt  }
0x81: {  	_ =	shalt  }
0x82: {  	_ =	shalt  }
0x83: {  	_ =	shalt  }
0x84: {  	_ =	shalt  }
0x85: {  	_ =	shalt  }
0x86: {  	_ =	shalt  }
0x87: {  	_ =	shalt  }
.Lfunc_end0:
.L_simem_size_0:
called_computation_lowered:
.L_overlay_start_0:
0x88: {  	s2 =	sld [smem:$0x3FD9]  }
0x89: {  	s3 =	sld [smem:$0x3FFE];
	_ =	sdelay $0x1  }
0x8a: {  	s1 =	srdreg.scid  }
0x8b: {  	s0 =	sand.u32 $0x1, s1  }
0x8c: {  	s14 =	sshll.u32 s0, $0xA;
	s2 =	sadd.s32 s3, s2  }
0x8d: {  	s2 =	sadd.s32 s2, s14  }
0x8e: {  	[smem:$0x3FC2] =	sst s2  }
0x8f: {  	_ = 	snop  }
0x90: {  	s2 =	sld [smem:$0x3FD0];
	_ =	sdelay $0x2  }
0x91: {  	s15 =	simm.s32 $0xA;
	s4 =	simm.s32 $0x10  }
0x92: {  	[smem:s4], [sflag:s15] =	dma.local [hbm:s2], $0x1  }
0x93: {  	_ =	swait.eq [sflag:s15], $0x1  }
0x94: {  	[sflag:s15] =	ssyncset.done $0x0  }
0x95: {  	[sflag:s15] =	ssyncadd.s32 $0xFFFFFFFF  }
0x96: {  	s16 =	sld [smem:$0x10];
	(tm) =	ssettm $0x1  }
0x97: {  	s17 =	sld [smem:$0x3FFB];
	_ =	sdelay $0x3  }
0x98: {  	_ =	strace s17  }
0x99: {  	s3 =	sld [smem:$0x3FFC];
	_ =	sdelay $0x3  }
0x9a: {  	_ =	strace s3  }
0x9b: {  	s3 =	sld [smem:$0x3FFD];
	_ =	sdelay $0x3  }
0x9c: {  	_ =	strace s3  }
0x9d: {  	_ =	strace $0x8FFFFFFF  }
0x9e: {  	s18 =	sld [smem:$0x3FDB];
	_ =	sdelay $0x1  }
0x9f: {  	s19 =	simm.s32 $_scs_section_size  }
0xa0: {  	s5 =	simm.s32 $_size__tile_overlayer_lowered;
	s6 =	simm.s32 $_tile_overlayer_lowered  }
0xa1: {  	s22 =	simm.s32 $0x1BFF;
	s21 =	sshll.u32 s6, $0x1;
	s3 =	sadd.s32 s19, s18  }
0xa2: {  	s7 =	simm.s32 $0x0;
	s20 =	sshll.u32 s5, $0x1;
	s5 =	sadd.s32 s21, s3  }
0xa3: {  	[timem:s7], [sflag:s22] =	dma.local [hbm:s5], s20  }
0xa4: {  	_ =	swait.ge [sflag:s22], s20  }
0xa5: {  	s4 =	ssub.s32 $0x0, s20;
	[sflag:s22] =	ssyncset.done $0x0  }
0xa6: {  	[sflag:s22] =	ssyncadd.s32 s4;
	_ =	sdelay $0x1  }
0xa7: {  	s23 =	simm.s32 $0x1B8B  }
0xa8: {  	_ =	swait.ge [sflag:s23], $0x1  }
0xa9: {  	[sflag:s23] =	ssyncset.done $0x0  }
0xaa: {  	s25 =	simm.s32 $0x1B8E;
	s24 =	sld [smem:$0x3FFE];
	[sflag:s23] =	ssyncadd.s32 $0xFFFFFFFF  }
0xab: {  	s26 =	simm.s32 $execute0_lowered;
	[smem:$0x3FD2] =	sst s25  }
0xac: {  	s5 =	sshll.u32 s26, $0x1;
	_ =	strace $0x80000046;
	[dreg:$0x1] =	wrdreg $0xFFFFFFFF  }
0xad: {  	s28 =	simm.s32 $_size_execute0_lowered;
	s3 =	sadd.s32 s3, s5;
	[dreg:$0x0] =	wrdreg $0x0  }
0xae: {  	s5 =	sshll.u32 s28, $0x1;
	[dreg:$0x2] =	wrdreg s3  }
0xaf: {  	[dreg:$0x3] =	wrdreg s5  }
0xb0: {  	[dreg:$0x4] =	wrdreg $0xC0  }
0xb1: {  	_ =	task [dreg:s7], $0x5FFFF  }
0xb2: {  	[dreg:$0x1] =	wrdreg $0xFFFFFFFF  }
0xb3: {  	[dreg:$0x0] =	wrdreg $0x60  }
0xb4: {  	[dreg:$0x2] =	wrdreg s16  }
0xb5: {  	[dreg:$0x3] =	wrdreg s24  }
0xb6: {  	[dreg:$0x4] =	wrdreg $0x9  }
0xb7: {  	_ =	task.clear_ibuf [dreg:s7], $0x5FFFF;
	_ =	strace $0x90000046  }
0xb8: {  	s29 =	simm.s32 $0x9;
	_ =	strace $0x80000048  }
0xb9: {  	_ =	swait.ge [sflag:s29], $0x1  }
0xba: {  	[sflag:s29] =	ssyncadd.s32 $0xFFFFFFFF  }
0xbb: {  	_ =	strace $0x90000048  }
0xbc: {  	_ =	sfence  }
0xbd: {  	s30 =	sld [smem:$0x0];
	_ =	sdelay $0x2  }
0xbe: {  	s31 =	sshll.u32 s1, $0xD;
	s1 =	sshrl.u32 s1, $0x2  }
0xbf: {  	s3 =	sand.u32 $0x4000, s31;
	s1 =	sadd.s32 s1, s30  }
0xc0: {  	s0 =	sor.u32 s3, s0;
	s1 =	sshll.u32 s1, $0x11  }
0xc1: {  	s0 =	sor.u32 s1, s0  }
0xc2: {  	s0 =	sadd.s32 $0x8F2B, s0  }
0xc3: {  	[sflag:s0] =	ssyncadd.remote.s32 $0x1  }
0xc4: {  	_ =	sfence.sel $0xFFFF  }
0xc5: {  	[dreg:$0x0] =	wrdreg $0xFFFFFFFF;
	(pc) =	sbr.abs _section_cstart, $3  }
0xc6: {  	[dreg:$0x1] =	wrdreg $0xFFFFFFFF  }
0xc7: {  	_ =	task.clear_ibuf [dreg:s7], $0x2FFFF;
	_ =	strace $0x9FFFFFFF  }
0xc8: {  	(tm) =	ssettm $0x7FFFFFFF  }
0xc9: {  	_ =	shalt  }
tec
execute0_lowered:
.L_overlay_start_1:
0x0: {  	(tag) =	ssettag $0x1  }
0x1: {  	s4 =	rddreg [dreg:$0x0]  }
0x2: {  	s6 =	rddreg [dreg:$0x1]  }
0x3: {  	s0 =	rddreg [dreg:$0x2];
	s2 =	simm.s32 $0x0  }
0x4: {  	s3 =	srdreg.scid;
	s1 =	stileid.u32;
	s10 =	simm.s32 $0x800  }
0x5: {  	s11 =	simm.s32 $0x1000;
	s12 =	simm.s32 $0x1800;
	s13 =	simm.s32 $0x2000  }
0x6: {  	s14 =	simm.s32 $0x2800;
	s15 =	simm.s32 $0x3000;
	s16 =	simm.s32 $0x3800  }
0x7: {  	s17 =	simm.s32 $0x4000;
	s18 =	simm.s32 $0x4800;
	s19 =	simm.s32 $0x5000  }
0x8: {  	s20 =	simm.s32 $0x5800;
	s21 =	simm.s32 $0x6000;
	s22 =	simm.s32 $0x6800  }
0x9: {  	s23 =	simm.s32 $0x7000;
	s24 =	simm.s32 $0x7800;
	s25 =	simm.s32 $0x1  }
0xa: {  	s26 =	simm.s32 $0x2;
	[smem:$0x7FF] =	sst s2;
	s5 =	sand.u32 $0x1, s3  }
0xb: {  	s7 =	sshll.u32 s1, $0x1;
	s3 =	sadd.s32 $0xC00, s6;
	s8 =	ssub.s32 $0x2, s5  }
0xc: {  	_ =	strace $0x80000047;
	s5 =	sor.u32 s5, s7;
	s31 =	sshrl.u32 s8, $0x1  }
0xd: {  	v2 =	vlaneseq.u32;
	s9 =	sshll.u32 s5, $0xC;
	s5 =	sshll.u32 s5, $0x5;
	s7 =	ssub.s32 s8, s31  }
0xe: {  	vm0 =	vmmov $0xffff;
	v1 =	vshrl.u32 v2, $0x3;
	s4 =	sadd.s32 s4, s9;
	s5 =	sadd.s32 s6, s5;
	s6 =	sadd.s32 $0xD00, s6  }
0xf: {  	v0 =	vand.u32 $0x7, v2;
	v2 =	vor.u32 $0x8, v2;
	v1 =	vmul.u32 $0x8, v1;
	s8 =	simm.s32 $0x3;
	s9 =	simm.s32 $0x8000;
	s7 =	smax.u32 s7, $0x1  }
.LBB2_1:
0x10: {  	[tilespmem:s2], [sflag:$0x3] =	stream.linear.gather [hbm4b:s4+s2], $0x8000, $0x38;
	[tilespmem:$0x8100] =	vst v63  }
0x11: {  	_ =	swait.ge [sflag:s8], $0x8000  }
0x12: {  	[sflag:s8] =	ssyncset.done $0x0  }
0x13: {  	[sflag:s8] =	ssyncadd.s32 $0xFFFF8000  }
0x14: {  	[tilespmem:s9], [sflag:$0x3] =	stream.linear.gather [hbm4b:s5+s2], $0x100, $0x38;
	[tilespmem:$0x8100] =	vst v63  }
0x15: {  	_ =	swait.ge [sflag:s8], $0x100  }
0x16: {  	[sflag:s8] =	ssyncset.done $0x0  }
0x17: {  	[sflag:s8] =	ssyncadd.s32 $0xFFFFFF00  }
0x18: {  	v3 =	vld [tilespmem:$0x8000];
	_ =	sdelay $0x4  }
0x19: {  	v4 =	vshll.u32 v3, $0x2  }
0x1a: {  	v3 =	vand.u32 $0x7, v3;
	v4 =	vand.u32 $0xFFFFFFE0, v4  }
0x1b: {  	v3 =	vor.u32 v3, v4  }
0x1c: {  	v4 =	vperm.xlane v3, v0;
	_ =	sdelay $0x1  }
0x1d: {  	v4 =	vadd.s32 v1, v4;
	_ =	sdelay $0x1  }
0x1e: {  	v3 =	vperm.xlane v3, v2;
	_ =	sdelay $0x1  }
0x1f: {  	v3 =	vadd.s32 v1, v3  }
0x20: {  	[hbm4b:s3+s2] =	stream.indirect_vreg.scatter [tilespmem:s2], [sflag:$0x1], $0x80, v4, vm0, $0xb8;
	[tilespmem:$0x8100] =	vst v63  }
0x21: {  	_ = 	snop  }
0x22: {  	[hbm4b:s6+s2] =	stream.indirect_vreg.scatter [tilespmem:s10], [sflag:$0x1], $0x80, v4, vm0, $0xb8;
	[tilespmem:$0x8100] =	vst v63  }
0x23: {  	_ = 	snop  }
0x24: {  	[hbm4b:s3+s2] =	stream.indirect_vreg.scatter [tilespmem:s11], [sflag:$0x1], $0x80, v3, vm0, $0xb8;
	[tilespmem:$0x8100] =	vst v63  }
0x25: {  	_ = 	snop  }
0x26: {  	[hbm4b:s6+s2] =	stream.indirect_vreg.scatter [tilespmem:s12], [sflag:$0x1], $0x80, v3, vm0, $0xb8;
	[tilespmem:$0x8100] =	vst v63  }
0x27: {  	v3 =	vld [tilespmem:$0x8010];
	_ =	sdelay $0x4  }
0x28: {  	v57 =	vshll.u32 v3, $0x2  }
0x29: {  	v3 =	vand.u32 $0x7, v3;
	v4 =	vand.u32 $0xFFFFFFE0, v57  }
0x2a: {  	v3 =	vor.u32 v3, v4  }
0x2b: {  	v4 =	vperm.xlane v3, v0;
	_ =	sdelay $0x1  }
0x2c: {  	v4 =	vadd.s32 v1, v4;
	_ =	sdelay $0x1  }
0x2d: {  	v3 =	vperm.xlane v3, v2;
	_ =	sdelay $0x1  }
0x2e: {  	v3 =	vadd.s32 v1, v3  }
0x2f: {  	[hbm4b:s3+s2] =	stream.indirect_vreg.scatter [tilespmem:s13], [sflag:$0x1], $0x80, v4, vm0, $0xb8;
	[tilespmem:$0x8100] =	vst v63  }
0x30: {  	_ = 	snop  }
0x31: {  	[hbm4b:s6+s2] =	stream.indirect_vreg.scatter [tilespmem:s14], [sflag:$0x1], $0x80, v4, vm0, $0xb8;
	[tilespmem:$0x8100] =	vst v63  }
0x32: {  	_ = 	snop  }
0x33: {  	[hbm4b:s3+s2] =	stream.indirect_vreg.scatter [tilespmem:s15], [sflag:$0x1], $0x80, v3, vm0, $0xb8;
	[tilespmem:$0x8100] =	vst v63  }
0x34: {  	_ = 	snop  }
0x35: {  	[hbm4b:s6+s2] =	stream.indirect_vreg.scatter [tilespmem:s16], [sflag:$0x1], $0x80, v3, vm0, $0xb8;
	[tilespmem:$0x8100] =	vst v63  }
0x36: {  	v3 =	vld [tilespmem:$0x8020];
	_ =	sdelay $0x4  }
0x37: {  	v58 =	vshll.u32 v3, $0x2  }
0x38: {  	v3 =	vand.u32 $0x7, v3;
	v4 =	vand.u32 $0xFFFFFFE0, v58  }
0x39: {  	v3 =	vor.u32 v3, v4  }
0x3a: {  	v4 =	vperm.xlane v3, v0;
	_ =	sdelay $0x1  }
0x3b: {  	v4 =	vadd.s32 v1, v4;
	_ =	sdelay $0x1  }
0x3c: {  	v3 =	vperm.xlane v3, v2;
	_ =	sdelay $0x1  }
0x3d: {  	v3 =	vadd.s32 v1, v3  }
0x3e: {  	[hbm4b:s3+s2] =	stream.indirect_vreg.scatter [tilespmem:s17], [sflag:$0x1], $0x80, v4, vm0, $0xb8;
	[tilespmem:$0x8100] =	vst v63  }
0x3f: {  	_ = 	snop  }
0x40: {  	[hbm4b:s6+s2] =	stream.indirect_vreg.scatter [tilespmem:s18], [sflag:$0x1], $0x80, v4, vm0, $0xb8;
	[tilespmem:$0x8100] =	vst v63  }
0x41: {  	_ = 	snop  }
0x42: {  	[hbm4b:s3+s2] =	stream.indirect_vreg.scatter [tilespmem:s19], [sflag:$0x1], $0x80, v3, vm0, $0xb8;
	[tilespmem:$0x8100] =	vst v63  }
0x43: {  	_ = 	snop  }
0x44: {  	[hbm4b:s6+s2] =	stream.indirect_vreg.scatter [tilespmem:s20], [sflag:$0x1], $0x80, v3, vm0, $0xb8;
	[tilespmem:$0x8100] =	vst v63  }
0x45: {  	v3 =	vld [tilespmem:$0x8030];
	_ =	sdelay $0x4  }
0x46: {  	v59 =	vshll.u32 v3, $0x2  }
0x47: {  	v3 =	vand.u32 $0x7, v3;
	v4 =	vand.u32 $0xFFFFFFE0, v59  }
0x48: {  	v3 =	vor.u32 v3, v4  }
0x49: {  	v4 =	vperm.xlane v3, v0;
	_ =	sdelay $0x1  }
0x4a: {  	v4 =	vadd.s32 v1, v4;
	_ =	sdelay $0x1  }
0x4b: {  	v3 =	vperm.xlane v3, v2;
	_ =	sdelay $0x1  }
0x4c: {  	v3 =	vadd.s32 v1, v3  }
0x4d: {  	[hbm4b:s3+s2] =	stream.indirect_vreg.scatter [tilespmem:s21], [sflag:$0x1], $0x80, v4, vm0, $0xb8;
	[tilespmem:$0x8100] =	vst v63  }
0x4e: {  	_ = 	snop  }
0x4f: {  	[hbm4b:s6+s2] =	stream.indirect_vreg.scatter [tilespmem:s22], [sflag:$0x1], $0x80, v4, vm0, $0xb8;
	[tilespmem:$0x8100] =	vst v63  }
0x50: {  	_ = 	snop  }
0x51: {  	[hbm4b:s3+s2] =	stream.indirect_vreg.scatter [tilespmem:s23], [sflag:$0x1], $0x80, v3, vm0, $0xb8;
	[tilespmem:$0x8100] =	vst v63  }
0x52: {  	_ = 	snop  }
0x53: {  	[hbm4b:s6+s2] =	stream.indirect_vreg.scatter [tilespmem:s24], [sflag:$0x1], $0x80, v3, vm0, $0xb8;
	[tilespmem:$0x8100] =	vst v63  }
0x54: {  	v3 =	vld [tilespmem:$0x8080];
	_ =	sdelay $0x4  }
0x55: {  	v60 =	vshll.u32 v3, $0x2  }
0x56: {  	v3 =	vand.u32 $0x7, v3;
	v4 =	vand.u32 $0xFFFFFFE0, v60  }
0x57: {  	v3 =	vor.u32 v3, v4  }
0x58: {  	v4 =	vperm.xlane v3, v0;
	_ =	sdelay $0x1  }
0x59: {  	v4 =	vadd.s32 v1, v4;
	_ =	sdelay $0x1  }
0x5a: {  	v3 =	vperm.xlane v3, v2;
	_ =	sdelay $0x1  }
0x5b: {  	v3 =	vadd.s32 v1, v3  }
0x5c: {  	[hbm4b:s3+s2] =	stream.indirect_vreg.scatter [tilespmem:s2], [sflag:$0x2], $0x80, v4, vm0, $0xb8;
	[tilespmem:$0x8100] =	vst v63  }
0x5d: {  	_ = 	snop  }
0x5e: {  	[hbm4b:s6+s2] =	stream.indirect_vreg.scatter [tilespmem:s10], [sflag:$0x2], $0x80, v4, vm0, $0xb8;
	[tilespmem:$0x8100] =	vst v63  }
0x5f: {  	_ = 	snop  }
0x60: {  	[hbm4b:s3+s2] =	stream.indirect_vreg.scatter [tilespmem:s11], [sflag:$0x2], $0x80, v3, vm0, $0xb8;
	[tilespmem:$0x8100] =	vst v63  }
0x61: {  	_ = 	snop  }
0x62: {  	[hbm4b:s6+s2] =	stream.indirect_vreg.scatter [tilespmem:s12], [sflag:$0x2], $0x80, v3, vm0, $0xb8;
	[tilespmem:$0x8100] =	vst v63  }
0x63: {  	v3 =	vld [tilespmem:$0x8090];
	_ =	sdelay $0x4  }
0x64: {  	v61 =	vshll.u32 v3, $0x2  }
0x65: {  	v3 =	vand.u32 $0x7, v3;
	v4 =	vand.u32 $0xFFFFFFE0, v61  }
0x66: {  	v3 =	vor.u32 v3, v4  }
0x67: {  	v4 =	vperm.xlane v3, v0;
	_ =	sdelay $0x1  }
0x68: {  	v4 =	vadd.s32 v1, v4;
	_ =	sdelay $0x1  }
0x69: {  	v3 =	vperm.xlane v3, v2;
	_ =	sdelay $0x1  }
0x6a: {  	v3 =	vadd.s32 v1, v3  }
0x6b: {  	[hbm4b:s3+s2] =	stream.indirect_vreg.scatter [tilespmem:s13], [sflag:$0x2], $0x80, v4, vm0, $0xb8;
	[tilespmem:$0x8100] =	vst v63  }
0x6c: {  	_ = 	snop  }
0x6d: {  	[hbm4b:s6+s2] =	stream.indirect_vreg.scatter [tilespmem:s14], [sflag:$0x2], $0x80, v4, vm0, $0xb8;
	[tilespmem:$0x8100] =	vst v63  }
0x6e: {  	_ = 	snop  }
0x6f: {  	[hbm4b:s3+s2] =	stream.indirect_vreg.scatter [tilespmem:s15], [sflag:$0x2], $0x80, v3, vm0, $0xb8;
	[tilespmem:$0x8100] =	vst v63  }
0x70: {  	_ = 	snop  }
0x71: {  	[hbm4b:s6+s2] =	stream.indirect_vreg.scatter [tilespmem:s16], [sflag:$0x2], $0x80, v3, vm0, $0xb8;
	[tilespmem:$0x8100] =	vst v63  }
0x72: {  	v3 =	vld [tilespmem:$0x80A0];
	_ =	sdelay $0x4  }
0x73: {  	v62 =	vshll.u32 v3, $0x2  }
0x74: {  	v3 =	vand.u32 $0x7, v3;
	v4 =	vand.u32 $0xFFFFFFE0, v62  }
0x75: {  	v3 =	vor.u32 v3, v4  }
0x76: {  	v4 =	vperm.xlane v3, v0;
	_ =	sdelay $0x1  }
0x77: {  	v4 =	vadd.s32 v1, v4;
	_ =	sdelay $0x1  }
0x78: {  	v3 =	vperm.xlane v3, v2;
	_ =	sdelay $0x1  }
0x79: {  	v3 =	vadd.s32 v1, v3  }
0x7a: {  	[hbm4b:s3+s2] =	stream.indirect_vreg.scatter [tilespmem:s17], [sflag:$0x2], $0x80, v4, vm0, $0xb8;
	[tilespmem:$0x8100] =	vst v63  }
0x7b: {  	_ = 	snop  }
0x7c: {  	[hbm4b:s6+s2] =	stream.indirect_vreg.scatter [tilespmem:s18], [sflag:$0x2], $0x80, v4, vm0, $0xb8;
	[tilespmem:$0x8100] =	vst v63  }
0x7d: {  	_ = 	snop  }
0x7e: {  	[hbm4b:s3+s2] =	stream.indirect_vreg.scatter [tilespmem:s19], [sflag:$0x2], $0x80, v3, vm0, $0xb8;
	[tilespmem:$0x8100] =	vst v63  }
0x7f: {  	_ = 	snop  }
0x80: {  	[hbm4b:s6+s2] =	stream.indirect_vreg.scatter [tilespmem:s20], [sflag:$0x2], $0x80, v3, vm0, $0xb8;
	[tilespmem:$0x8100] =	vst v63  }
0x81: {  	v3 =	vld [tilespmem:$0x80B0];
	_ =	sdelay $0x4  }
0x82: {  	v63 =	vshll.u32 v3, $0x2  }
0x83: {  	v3 =	vand.u32 $0x7, v3;
	v4 =	vand.u32 $0xFFFFFFE0, v63  }
0x84: {  	v3 =	vor.u32 v3, v4  }
0x85: {  	v4 =	vperm.xlane v3, v0;
	_ =	sdelay $0x1  }
0x86: {  	v4 =	vadd.s32 v1, v4;
	_ =	sdelay $0x1  }
0x87: {  	v3 =	vperm.xlane v3, v2;
	_ =	sdelay $0x1  }
0x88: {  	v3 =	vadd.s32 v1, v3  }
0x89: {  	[hbm4b:s3+s2] =	stream.indirect_vreg.scatter [tilespmem:s21], [sflag:$0x2], $0x80, v4, vm0, $0xb8;
	[tilespmem:$0x8100] =	vst v63  }
0x8a: {  	_ = 	snop  }
0x8b: {  	[hbm4b:s6+s2] =	stream.indirect_vreg.scatter [tilespmem:s22], [sflag:$0x2], $0x80, v4, vm0, $0xb8;
	[tilespmem:$0x8100] =	vst v63  }
0x8c: {  	_ = 	snop  }
0x8d: {  	[hbm4b:s3+s2] =	stream.indirect_vreg.scatter [tilespmem:s23], [sflag:$0x2], $0x80, v3, vm0, $0xb8;
	[tilespmem:$0x8100] =	vst v63  }
0x8e: {  	_ = 	snop  }
0x8f: {  	[hbm4b:s6+s2] =	stream.indirect_vreg.scatter [tilespmem:s24], [sflag:$0x2], $0x80, v3, vm0, $0xb8;
	[tilespmem:$0x8100] =	vst v63  }
0x90: {  	p0 =	sne.s32 s7, $0x1;
	_ =	swait.ge [sflag:s25], $0x8000  }
.Ltmp0:
0x91: {  	[sflag:s25] =	ssyncset.done $0x0;
	(pc) =	sbr.rel @p0 .LBB2_1-.Ltmp0, $4  }
0x92: {  	[sflag:s25] =	ssyncadd.s32 $0xFFFF8000  }
0x93: {  	_ =	swait.ge [sflag:s26], $0x8000  }
0x94: {  	[sflag:s26] =	ssyncset.done $0x0  }
0x95: {  	s7 =	sadd.s32 $0xFFFFFFFF, s7;
	[sflag:s26] =	ssyncadd.s32 $0xFFFF8000  }
0x96: {  	_ =	sfence.sel $0x180000  }
0x97: {  	[bflag:$0x0] =	sbarrier.arrive $0xFFFF  }
0x98: {  	p0 =	sne.s32 s1, $0x0;
	_ =	strace $0x90000047  }
0x99: {  	s0 =	sadd.s32 @!p0 $0x100000, s0;
	[bflag:$0x2] =	sbarrier.arrive $0xFFFF  }
0x9a: {  	[sflag:s0] =	ssyncadd.tile.s32 @!p0 $0x1;
	_ =	shalt  }
.Lfunc_end2:
_tile_overlayer_lowered:
.L_overlay_start_2:
0x9b: {  	(tag) =	ssettag $0x2  }
0x9c: {  	s0 =	rddreg [dreg:$0x0];
	s2 =	stileid.u32  }
0x9d: {  	s1 =	rddreg [dreg:$0x1];
	p0 =	sne.s32 s2, $0x0  }
0x9e: {  	s3 =	rddreg [dreg:$0x2];
	[bflag:$0x3] =	sbarrier.arrive $0xFFFF;
	s2 =	simm.s32 @!p0 $0x1C03  }
0x9f: {  	[timem:s3], [sflag:s2] =	dma.local @!p0 [hbm:s0], s1  }
0xa0: {  	s0 =	simm.s32 @!p0 $0x3  }
0xa1: {  	_ =	swait.ge @!p0 [sflag:s0], s1  }
0xa2: {  	s1 =	ssub.s32 @!p0 $0x0, s1;
	[sflag:s0] =	ssyncset.done @!p0 $0x0  }
0xa3: {  	[sflag:s0] =	ssyncadd.s32 @!p0 s1  }
0xa4: {  	[bflag:$0x3] =	sbarrier.arrive $0xFFFF  }
0xa5: {  	_ =	shalt  }

// kernel: kernel.9.cloned.1.call-start
scs
__scs_entry_jumppad:
0x0: {  	(pc) =	sbr.rel $0x88, $3  }
0x1: {  	(tag) =	ssettag $0x0;
	lr =	simm.s32 $0x1  }
0x2: {  	[smem:$0x3F9B] =	sst lr;
	_ =	strace $0xD0000000  }
0x3: {  	_ = 	snop  }
0x4: {  	_ = 	snop  }
0x5: {  	_ = 	snop  }
0x6: {  	_ = 	snop  }
0x7: {  	_ = 	snop  }
__scs_overlays_trampoline_lowered:
0x8: {  	[smem:$0x3FAA] =	sst s0  }
0x9: {  	[smem:$0x3FAB] =	sst s1  }
0xa: {  	[smem:$0x3FAC] =	sst s2  }
0xb: {  	[smem:$0x3FAD] =	sst s3  }
0xc: {  	[smem:$0x3FAE] =	sst s4  }
0xd: {  	[smem:$0x3FAF] =	sst s5  }
0xe: {  	[smem:$0x3FB0] =	sst s6  }
0xf: {  	[smem:$0x3FB1] =	sst s7  }
0x10: {  	[smem:$0x3FB2] =	sst s8  }
0x11: {  	[smem:$0x3FB3] =	sst s9;
	s0 =	simm.s32 @!p0 $0x0  }
0x12: {  	s1 =	sld [smem:$0x3F99];
	s0 =	simm.s32 @p0 $0x1  }
0x13: {  	[smem:$0x3FB4] =	sst s0;
	s0 =	simm.s32 @!p1 $0x0  }
0x14: {  	s2 =	sld [smem:$0x3F98];
	s0 =	simm.s32 @p1 $0x1  }
0x15: {  	[smem:$0x3FB5] =	sst s0;
	s0 =	simm.s32 @!p2 $0x0  }
0x16: {  	s3 =	sld [smem:$0x3FDB];
	s0 =	simm.s32 @p2 $0x1  }
0x17: {  	s4 =	simm.s32 $0x1BF5;
	[smem:$0x3FB7] =	sst s0  }
0x18: {  	s0 =	sld [smem:$0x3F9A];
	_ =	swait.ge [sflag:s4], $0x0  }
0x19: {  	s7 =	sld [smem:$0x3F9B]  }
0x1a: {  	s8 =	sadd.s32 $0xFFFFE003, lr  }
0x1b: {  	s9 =	sadd.s32 $0xFFFFFEF7, lr;
	s5 =	simm.s32 $0xFFFFFFFF;
	p2 =	slt.u32 s8, $0xFFFFF086  }
0x1c: {  	p1 =	slt.u32 s9, $0xF7A;
	s5 =	simm.s32 @!p2 $0x0  }
0x1d: {  	s5 =	simm.s32 @p1 $0x1;
	p0 =	seq.s32 s7, s2  }
0x1e: {  	s7 =	smul.u32 @!p0 $0xF7A, s2;
	p2 =	seq.s32 @!p0 s5, $0x0  }
0x1f: {  	s9 =	smul.u32 $0xF7A, s1;
	s8 =	simm.s32 @!p0 $0x1BF5;
	p2 =	por !p2, p0  }
0x20: {  	[sflag:s8] =	ssyncset.s32 @!p0 $0xFFFFF086;
	s6 =	sadd.s32 @!p0 s3, s7;
	s7 =	simm.s32 @!p0 $0x108  }
0x21: {  	s3 =	sadd.s32 s3, s9;
	s6 =	sadd.s32 @!p0 $0x88, s6;
	s7 =	simm.s32 @p2 $0x1082  }
0x22: {  	[simem:s7], [sflag:s8] =	dma.local @!p0 [hbm:s6], $0xF7A  }
0x23: {  	s9 =	sor.u32 $0xD0000000, s2;
	s6 =	simm.s32 $0x108;
	_ =	swait.ge @!p0 [sflag:s8], $0x0  }
0x24: {  	s3 =	sadd.s32 $0x88, s3;
	s6 =	simm.s32 @!p1 $0x1082;
	[sflag:s4] =	ssyncset.s32 $0xFFFFF086  }
0x25: {  	[simem:s6], [sflag:s4] =	dma.local [hbm:s3], $0xF7A  }
0x26: {  	[smem:$0x3F9B] =	sst s1;
	(tag) =	ssettag s2;
	_ =	strace s9  }
0x27: {  	s1 =	sld [smem:$0x3FAB]  }
0x28: {  	s2 =	sld [smem:$0x3FAC]  }
0x29: {  	s4 =	sld [smem:$0x3FAE]  }
0x2a: {  	p0 =	seq.s32 s5, $0x0;
	s5 =	sld [smem:$0x3FAF]  }
0x2b: {  	s6 =	sld [smem:$0x3FB0]  }
0x2c: {  	s7 =	sld [smem:$0x3FB1]  }
0x2d: {  	s3 =	simm.s32 $0x108;
	s8 =	sld [smem:$0x3FB2]  }
0x2e: {  	s3 =	simm.s32 @!p0 $0x1082;
	s9 =	sld [smem:$0x3FB3]  }
0x2f: {  	lr =	sadd.s32 s0, s3;
	s0 =	sld [smem:$0x3FAA]  }
0x30: {  	s3 =	sld [smem:$0x3FAD]  }
0x31: {  	[smem:$0x3FB6] =	sst s10  }
0x32: {  	s10 =	sld [smem:$0x3FB4];
	_ =	sdelay $0x3  }
0x33: {  	p0 =	seq.s32 s10, $0x1;
	s10 =	sld [smem:$0x3FB6];
	_ =	sdelay $0x3  }
0x34: {  	[smem:$0x3FB6] =	sst s10  }
0x35: {  	s10 =	sld [smem:$0x3FB5];
	_ =	sdelay $0x3  }
0x36: {  	p1 =	seq.s32 s10, $0x1;
	s10 =	sld [smem:$0x3FB6];
	_ =	sdelay $0x3  }
0x37: {  	[smem:$0x3FB6] =	sst s10  }
0x38: {  	s10 =	sld [smem:$0x3FB7]  }
0x39: {  	_ = 	snop;
	(pc) =	sbr.ind lr, $3  }
0x3a: {  	_ = 	snop  }
0x3b: {  	_ = 	snop  }
0x3c: {  	p2 =	seq.s32 s10, $0x1;
	s10 =	sld [smem:$0x3FB6]  }
0x3d: {  	_ =	shalt  }
0x3e: {  	_ =	shalt  }
0x3f: {  	_ =	shalt  }
0x40: {  	_ =	shalt  }
0x41: {  	_ =	shalt  }
0x42: {  	_ =	shalt  }
0x43: {  	_ =	shalt  }
0x44: {  	_ =	shalt  }
0x45: {  	_ =	shalt  }
0x46: {  	_ =	shalt  }
0x47: {  	_ =	shalt  }
0x48: {  	_ =	shalt  }
0x49: {  	_ =	shalt  }
0x4a: {  	_ =	shalt  }
0x4b: {  	_ =	shalt  }
0x4c: {  	_ =	shalt  }
0x4d: {  	_ =	shalt  }
0x4e: {  	_ =	shalt  }
0x4f: {  	_ =	shalt  }
0x50: {  	_ =	shalt  }
0x51: {  	_ =	shalt  }
0x52: {  	_ =	shalt  }
0x53: {  	_ =	shalt  }
0x54: {  	_ =	shalt  }
0x55: {  	_ =	shalt  }
0x56: {  	_ =	shalt  }
0x57: {  	_ =	shalt  }
0x58: {  	_ =	shalt  }
0x59: {  	_ =	shalt  }
0x5a: {  	_ =	shalt  }
0x5b: {  	_ =	shalt  }
0x5c: {  	_ =	shalt  }
0x5d: {  	_ =	shalt  }
0x5e: {  	_ =	shalt  }
0x5f: {  	_ =	shalt  }
0x60: {  	_ =	shalt  }
0x61: {  	_ =	shalt  }
0x62: {  	_ =	shalt  }
0x63: {  	_ =	shalt  }
0x64: {  	_ =	shalt  }
0x65: {  	_ =	shalt  }
0x66: {  	_ =	shalt  }
0x67: {  	_ =	shalt  }
0x68: {  	_ =	shalt  }
0x69: {  	_ =	shalt  }
0x6a: {  	_ =	shalt  }
0x6b: {  	_ =	shalt  }
0x6c: {  	_ =	shalt  }
0x6d: {  	_ =	shalt  }
0x6e: {  	_ =	shalt  }
0x6f: {  	_ =	shalt  }
0x70: {  	_ =	shalt  }
0x71: {  	_ =	shalt  }
0x72: {  	_ =	shalt  }
0x73: {  	_ =	shalt  }
0x74: {  	_ =	shalt  }
0x75: {  	_ =	shalt  }
0x76: {  	_ =	shalt  }
0x77: {  	_ =	shalt  }
0x78: {  	_ =	shalt  }
0x79: {  	_ =	shalt  }
0x7a: {  	_ =	shalt  }
0x7b: {  	_ =	shalt  }
0x7c: {  	_ =	shalt  }
0x7d: {  	_ =	shalt  }
0x7e: {  	_ =	shalt  }
0x7f: {  	_ =	shalt  }
0x80: {  	_ =	shalt  }
0x81: {  	_ =	shalt  }
0x82: {  	_ =	shalt  }
0x83: {  	_ =	shalt  }
0x84: {  	_ =	shalt  }
0x85: {  	_ =	shalt  }
0x86: {  	_ =	shalt  }
0x87: {  	_ =	shalt  }
.Lfunc_end0:
.L_simem_size_0:
called_computation.1_lowered:
.L_overlay_start_0:
0x88: {  	s2 =	sld [smem:$0x3FD9]  }
0x89: {  	s3 =	sld [smem:$0x3FFE];
	_ =	sdelay $0x1  }
0x8a: {  	s1 =	srdreg.scid  }
0x8b: {  	s0 =	sand.u32 $0x1, s1  }
0x8c: {  	s14 =	sshll.u32 s0, $0xA;
	s2 =	sadd.s32 s3, s2  }
0x8d: {  	s2 =	sadd.s32 s2, s14  }
0x8e: {  	[smem:$0x3FC2] =	sst s2  }
0x8f: {  	_ = 	snop  }
0x90: {  	s2 =	sld [smem:$0x3FD0];
	_ =	sdelay $0x2  }
0x91: {  	s15 =	simm.s32 $0xA;
	s4 =	simm.s32 $0x10  }
0x92: {  	[smem:s4], [sflag:s15] =	dma.local [hbm:s2], $0x1  }
0x93: {  	_ =	swait.eq [sflag:s15], $0x1  }
0x94: {  	[sflag:s15] =	ssyncset.done $0x0  }
0x95: {  	[sflag:s15] =	ssyncadd.s32 $0xFFFFFFFF  }
0x96: {  	s16 =	sld [smem:$0x10];
	(tm) =	ssettm $0x1  }
0x97: {  	s17 =	sld [smem:$0x3FFB];
	_ =	sdelay $0x3  }
0x98: {  	_ =	strace s17  }
0x99: {  	s3 =	sld [smem:$0x3FFC];
	_ =	sdelay $0x3  }
0x9a: {  	_ =	strace s3  }
0x9b: {  	s3 =	sld [smem:$0x3FFD];
	_ =	sdelay $0x3  }
0x9c: {  	_ =	strace s3  }
0x9d: {  	_ =	strace $0x8FFFFFFF  }
0x9e: {  	s18 =	sld [smem:$0x3FDB];
	_ =	sdelay $0x1  }
0x9f: {  	s19 =	simm.s32 $_scs_section_size  }
0xa0: {  	s5 =	simm.s32 $_size__tile_overlayer_lowered;
	s6 =	simm.s32 $_tile_overlayer_lowered  }
0xa1: {  	s22 =	simm.s32 $0x1BFF;
	s21 =	sshll.u32 s6, $0x1;
	s3 =	sadd.s32 s19, s18  }
0xa2: {  	s7 =	simm.s32 $0x0;
	s20 =	sshll.u32 s5, $0x1;
	s5 =	sadd.s32 s21, s3  }
0xa3: {  	[timem:s7], [sflag:s22] =	dma.local [hbm:s5], s20  }
0xa4: {  	_ =	swait.ge [sflag:s22], s20  }
0xa5: {  	s4 =	ssub.s32 $0x0, s20;
	[sflag:s22] =	ssyncset.done $0x0  }
0xa6: {  	[sflag:s22] =	ssyncadd.s32 s4;
	_ =	sdelay $0x1  }
0xa7: {  	s23 =	simm.s32 $0x1B8B  }
0xa8: {  	_ =	swait.ge [sflag:s23], $0x1  }
0xa9: {  	[sflag:s23] =	ssyncset.done $0x0  }
0xaa: {  	s25 =	simm.s32 $0x1B8E;
	s24 =	sld [smem:$0x3FFE];
	[sflag:s23] =	ssyncadd.s32 $0xFFFFFFFF  }
0xab: {  	s26 =	simm.s32 $execute0_lowered;
	[smem:$0x3FD2] =	sst s25  }
0xac: {  	s5 =	sshll.u32 s26, $0x1;
	_ =	strace $0x80000049;
	[dreg:$0x1] =	wrdreg $0xFFFFFFFF  }
0xad: {  	s28 =	simm.s32 $_size_execute0_lowered;
	s3 =	sadd.s32 s3, s5;
	[dreg:$0x0] =	wrdreg $0x0  }
0xae: {  	s5 =	sshll.u32 s28, $0x1;
	[dreg:$0x2] =	wrdreg s3  }
0xaf: {  	[dreg:$0x3] =	wrdreg s5  }
0xb0: {  	[dreg:$0x4] =	wrdreg $0xC0  }
0xb1: {  	_ =	task [dreg:s7], $0x5FFFF  }
0xb2: {  	[dreg:$0x1] =	wrdreg $0xFFFFFFFF  }
0xb3: {  	[dreg:$0x0] =	wrdreg $0x60  }
0xb4: {  	[dreg:$0x2] =	wrdreg s24  }
0xb5: {  	[dreg:$0x3] =	wrdreg s16  }
0xb6: {  	[dreg:$0x4] =	wrdreg $0x9  }
0xb7: {  	_ =	task.clear_ibuf [dreg:s7], $0x5FFFF;
	_ =	strace $0x90000049  }
0xb8: {  	s29 =	simm.s32 $0x9;
	_ =	strace $0x8000004B  }
0xb9: {  	_ =	swait.ge [sflag:s29], $0x1  }
0xba: {  	[sflag:s29] =	ssyncadd.s32 $0xFFFFFFFF  }
0xbb: {  	_ =	strace $0x9000004B  }
0xbc: {  	_ =	sfence  }
0xbd: {  	s30 =	sld [smem:$0x0];
	_ =	sdelay $0x2  }
0xbe: {  	s31 =	sshll.u32 s1, $0xD;
	s1 =	sshrl.u32 s1, $0x2  }
0xbf: {  	s3 =	sand.u32 $0x4000, s31;
	s1 =	sadd.s32 s1, s30  }
0xc0: {  	s0 =	sor.u32 s3, s0;
	s1 =	sshll.u32 s1, $0x11  }
0xc1: {  	s0 =	sor.u32 s1, s0  }
0xc2: {  	s0 =	sadd.s32 $0x8F2B, s0  }
0xc3: {  	[sflag:s0] =	ssyncadd.remote.s32 $0x1  }
0xc4: {  	_ =	sfence.sel $0xFFFF  }
0xc5: {  	[dreg:$0x0] =	wrdreg $0xFFFFFFFF;
	(pc) =	sbr.abs _section_cstart, $3  }
0xc6: {  	[dreg:$0x1] =	wrdreg $0xFFFFFFFF  }
0xc7: {  	_ =	task.clear_ibuf [dreg:s7], $0x2FFFF;
	_ =	strace $0x9FFFFFFF  }
0xc8: {  	(tm) =	ssettm $0x7FFFFFFF  }
0xc9: {  	_ =	shalt  }
tec
execute0_lowered:
.L_overlay_start_1:
0x0: {  	(tag) =	ssettag $0x1  }
0x1: {  	s0 =	rddreg [dreg:$0x0]  }
0x2: {  	s1 =	rddreg [dreg:$0x1];
	s2 =	simm.s32 $0x0  }
0x3: {  	s3 =	srdreg.scid;
	s5 =	stileid.u32;
	s16 =	simm.s32 $0xA  }
0x4: {  	s20 =	simm.s32 $0x4100;
	s17 =	simm.s32 $0xA900;
	s18 =	simm.s32 $0xB100  }
0x5: {  	s19 =	simm.s32 $0xB900;
	s12 =	simm.s32 $0x3;
	s21 =	simm.s32 $0x4  }
0x6: {  	s13 =	simm.s32 $0x7;
	s22 =	simm.s32 $0x5;
	s14 =	simm.s32 $0x6  }
0x7: {  	s23 =	simm.s32 $0x8;
	s15 =	simm.s32 $0x9;
	[smem:$0x7FF] =	sst s2  }
0x8: {  	s4 =	sand.u32 $0x1, s3;
	s5 =	sshll.u32 s5, $0x7;
	s3 =	sadd.s32 $0x800, s0  }
0x9: {  	s9 =	sadd.s32 $0xA00, s0;
	s6 =	sshll.u32 s4, $0x6;
	s4 =	ssub.s32 $0x2, s4  }
0xa: {  	s10 =	sadd.s32 $0xB00, s0;
	s5 =	sor.u32 s6, s5;
	s8 =	sshrl.u32 s4, $0x1  }
0xb: {  	_ =	strace $0x8000004A;
	s6 =	sshrl.u32 s5, $0x3;
	s4 =	ssub.s32 s4, s8  }
0xc: {  	s7 =	sshll.u32 s5, $0x4;
	s6 =	sadd.s32 s6, s0;
	s31 =	smax.u32 s4, $0x1  }
0xd: {  	s8 =	sadd.s32 $0x900, s0;
	s24 =	sadd.s32 $0x600, s6;
	[dreg:$0xa] =	wrdreg s31  }
0xe: {  	s7 =	sadd.s32 s7, s0;
	s6 =	sadd.s32 $0x400, s6;
	[dreg:$0x3] =	wrdreg s24  }
0xf: {  	s5 =	sshll.u32 s5, $0x7;
	s25 =	sadd.s32 $0x100800, s7;
	[dreg:$0x4] =	wrdreg s6  }
0x10: {  	s11 =	sadd.s32 s1, s5;
	s26 =	sadd.s32 $0x108800, s7;
	[dreg:$0x5] =	wrdreg s25  }
0x11: {  	s4 =	simm.s32 $0xC100;
	s28 =	sadd.s32 $0x800, s11;
	[dreg:$0x6] =	wrdreg s26  }
0x12: {  	v2 =	vlaneseq.u32;
	s5 =	simm.s32 $0x1;
	s29 =	sadd.s32 $0x1000, s11;
	[dreg:$0x7] =	wrdreg s28  }
0x13: {  	vm0 =	vmmov $0xffff;
	v1 =	vshrl.u32 v2, $0x3;
	s30 =	sadd.s32 $0x1800, s11;
	s7 =	simm.s32 $0x14100;
	[dreg:$0x8] =	wrdreg s29  }
0x14: {  	v0 =	vand.u32 $0x7, v2;
	v2 =	vor.u32 $0x8, v2;
	v1 =	vmul.u32 $0x8, v1;
	[dreg:$0x9] =	wrdreg s30;
	s6 =	simm.s32 $0x2;
	s24 =	simm.s32 $0x0  }
.LBB2_1:
0x15: {  	s0 =	rddreg [dreg:$0x3]  }
0x16: {  	[tilespmem:s2], [sflag:$0xA] =	stream.linear.gather [hbm4b:s0+s2], $0x40, $0x38;
	[tilespmem:$0x1C100] =	vst v63  }
0x17: {  	_ =	swait.ge [sflag:s16], $0x40  }
0x18: {  	[sflag:s16] =	ssyncset.done $0x0  }
0x19: {  	s1 =	simm.s32 $0x80;
	s26 =	rddreg [dreg:$0x4];
	[sflag:s16] =	ssyncadd.s32 $0xFFFFFFC0  }
0x1a: {  	[tilespmem:s1], [sflag:$0xA] =	stream.linear.gather [hbm4b:s26+s2], $0x40, $0x38;
	[tilespmem:$0x1C100] =	vst v63  }
0x1b: {  	_ =	swait.ge [sflag:s16], $0x40  }
0x1c: {  	[sflag:s16] =	ssyncset.done $0x0  }
0x1d: {  	s29 =	simm.s32 $0x100;
	s28 =	rddreg [dreg:$0x5];
	[sflag:s16] =	ssyncadd.s32 $0xFFFFFFC0  }
0x1e: {  	[tilespmem:s29], [sflag:$0xA] =	stream.linear.gather [hbm4b:s28+s2], $0x2000, $0x38;
	[tilespmem:$0x1C100] =	vst v63  }
0x1f: {  	_ =	swait.ge [sflag:s16], $0x2000  }
0x20: {  	[sflag:s16] =	ssyncset.done $0x0  }
0x21: {  	s31 =	simm.s32 $0x2100;
	s30 =	rddreg [dreg:$0x6];
	[sflag:s16] =	ssyncadd.s32 $0xFFFFE000  }
0x22: {  	[tilespmem:s31], [sflag:$0xA] =	stream.linear.gather [hbm4b:s30+s2], $0x2000, $0x38;
	[tilespmem:$0x1C100] =	vst v63  }
0x23: {  	_ =	swait.ge [sflag:s16], $0x2000  }
0x24: {  	[sflag:s16] =	ssyncset.done $0x0  }
0x25: {  	[sflag:s16] =	ssyncadd.s32 $0xFFFFE000  }
0x26: {  	v3 =	vld [tilespmem:$0x0];
	_ =	sdelay $0x4  }
0x27: {  	v4 =	vshll.u32 v3, $0x3  }
0x28: {  	v3 =	vand.u32 $0x7, v3;
	v4 =	vand.u32 $0xFFFFFFC0, v4  }
0x29: {  	v3 =	vor.u32 v3, v4  }
0x2a: {  	v4 =	vperm.xlane v3, v0;
	_ =	sdelay $0x1  }
0x2b: {  	v4 =	vadd.s32 v1, v4;
	_ =	sdelay $0x4  }
0x2c: {  	[tilespmem:s20], [sflag:$0x1] =	stream.indirect_vreg.gather [hbm4b:s3+s2], $0x80, v4, vm0, $0xb8;
	[tilespmem:$0x1C100] =	vst v63  }
0x2d: {  	s1 =	simm.s32 $0x4900;
	v3 =	vperm.xlane v3, v2  }
0x2e: {  	[tilespmem:s1], [sflag:$0x1] =	stream.indirect_vreg.gather [hbm4b:s8+s2], $0x80, v4, vm0, $0xb8;
	[tilespmem:$0x1C100] =	vst v63  }
0x2f: {  	s25 =	simm.s32 $0x5100;
	v3 =	vadd.s32 v1, v3  }
0x30: {  	[tilespmem:s25], [sflag:$0x1] =	stream.indirect_vreg.gather [hbm4b:s9+s2], $0x80, v4, vm0, $0xb8;
	[tilespmem:$0x1C100] =	vst v63  }
0x31: {  	s26 =	simm.s32 $0x5900  }
0x32: {  	[tilespmem:s26], [sflag:$0x1] =	stream.indirect_vreg.gather [hbm4b:s10+s2], $0x80, v4, vm0, $0xb8;
	[tilespmem:$0x1C100] =	vst v63  }
0x33: {  	s28 =	simm.s32 $0x6100  }
0x34: {  	[tilespmem:s28], [sflag:$0x1] =	stream.indirect_vreg.gather [hbm4b:s3+s2], $0x80, v3, vm0, $0xb8;
	[tilespmem:$0x1C100] =	vst v63  }
0x35: {  	s29 =	simm.s32 $0x6900  }
0x36: {  	[tilespmem:s29], [sflag:$0x1] =	stream.indirect_vreg.gather [hbm4b:s8+s2], $0x80, v3, vm0, $0xb8;
	[tilespmem:$0x1C100] =	vst v63  }
0x37: {  	s30 =	simm.s32 $0x7100  }
0x38: {  	[tilespmem:s30], [sflag:$0x1] =	stream.indirect_vreg.gather [hbm4b:s9+s2], $0x80, v3, vm0, $0xb8;
	[tilespmem:$0x1C100] =	vst v63  }
0x39: {  	s31 =	simm.s32 $0x7900  }
0x3a: {  	[tilespmem:s31], [sflag:$0x1] =	stream.indirect_vreg.gather [hbm4b:s10+s2], $0x80, v3, vm0, $0xb8;
	[tilespmem:$0x1C100] =	vst v63  }
0x3b: {  	v3 =	vld [tilespmem:$0x80];
	_ =	sdelay $0x4  }
0x3c: {  	v59 =	vshll.u32 v3, $0x3  }
0x3d: {  	v3 =	vand.u32 $0x7, v3;
	v4 =	vand.u32 $0xFFFFFFC0, v59  }
0x3e: {  	v3 =	vor.u32 v3, v4  }
0x3f: {  	v4 =	vperm.xlane v3, v0;
	_ =	sdelay $0x1  }
0x40: {  	v4 =	vadd.s32 v1, v4;
	_ =	sdelay $0x3  }
0x41: {  	s1 =	simm.s32 $0x8100  }
0x42: {  	[tilespmem:s1], [sflag:$0x2] =	stream.indirect_vreg.gather [hbm4b:s3+s2], $0x80, v4, vm0, $0xb8;
	[tilespmem:$0x1C100] =	vst v63  }
0x43: {  	s25 =	simm.s32 $0x8900;
	v3 =	vperm.xlane v3, v2  }
0x44: {  	[tilespmem:s25], [sflag:$0x2] =	stream.indirect_vreg.gather [hbm4b:s8+s2], $0x80, v4, vm0, $0xb8;
	[tilespmem:$0x1C100] =	vst v63  }
0x45: {  	s26 =	simm.s32 $0x9100;
	v3 =	vadd.s32 v1, v3  }
0x46: {  	[tilespmem:s26], [sflag:$0x2] =	stream.indirect_vreg.gather [hbm4b:s9+s2], $0x80, v4, vm0, $0xb8;
	[tilespmem:$0x1C100] =	vst v63  }
0x47: {  	s28 =	simm.s32 $0x9900  }
0x48: {  	[tilespmem:s28], [sflag:$0x2] =	stream.indirect_vreg.gather [hbm4b:s10+s2], $0x80, v4, vm0, $0xb8;
	[tilespmem:$0x1C100] =	vst v63  }
0x49: {  	s29 =	simm.s32 $0xA100  }
0x4a: {  	[tilespmem:s29], [sflag:$0x2] =	stream.indirect_vreg.gather [hbm4b:s3+s2], $0x80, v3, vm0, $0xb8;
	[tilespmem:$0x1C100] =	vst v63  }
0x4b: {  	_ = 	snop  }
0x4c: {  	[tilespmem:s17], [sflag:$0x2] =	stream.indirect_vreg.gather [hbm4b:s8+s2], $0x80, v3, vm0, $0xb8;
	[tilespmem:$0x1C100] =	vst v63  }
0x4d: {  	_ = 	snop  }
0x4e: {  	[tilespmem:s18], [sflag:$0x2] =	stream.indirect_vreg.gather [hbm4b:s9+s2], $0x80, v3, vm0, $0xb8;
	[tilespmem:$0x1C100] =	vst v63  }
0x4f: {  	_ = 	snop  }
0x50: {  	[tilespmem:s19], [sflag:$0x2] =	stream.indirect_vreg.gather [hbm4b:s10+s2], $0x80, v3, vm0, $0xb8;
	[tilespmem:$0x1C100] =	vst v63  }
0x51: {  	v3 =	vld [tilespmem:$0x10];
	_ =	sdelay $0x4  }
0x52: {  	v60 =	vshll.u32 v3, $0x3  }
0x53: {  	v3 =	vand.u32 $0x7, v3;
	v4 =	vand.u32 $0xFFFFFFC0, v60  }
0x54: {  	v3 =	vor.u32 v3, v4  }
0x55: {  	v4 =	vperm.xlane v3, v0;
	_ =	sdelay $0x1  }
0x56: {  	v4 =	vadd.s32 v1, v4;
	_ =	sdelay $0x4  }
0x57: {  	[tilespmem:s4], [sflag:$0x3] =	stream.indirect_vreg.gather [hbm4b:s3+s2], $0x80, v4, vm0, $0xb8;
	[tilespmem:$0x1C100] =	vst v63  }
0x58: {  	s30 =	simm.s32 $0xC900;
	v3 =	vperm.xlane v3, v2  }
0x59: {  	[tilespmem:s30], [sflag:$0x3] =	stream.indirect_vreg.gather [hbm4b:s8+s2], $0x80, v4, vm0, $0xb8;
	[tilespmem:$0x1C100] =	vst v63  }
0x5a: {  	s31 =	simm.s32 $0xD100;
	v3 =	vadd.s32 v1, v3  }
0x5b: {  	[tilespmem:s31], [sflag:$0x3] =	stream.indirect_vreg.gather [hbm4b:s9+s2], $0x80, v4, vm0, $0xb8;
	[tilespmem:$0x1C100] =	vst v63  }
0x5c: {  	s1 =	simm.s32 $0xD900  }
0x5d: {  	[tilespmem:s1], [sflag:$0x3] =	stream.indirect_vreg.gather [hbm4b:s10+s2], $0x80, v4, vm0, $0xb8;
	[tilespmem:$0x1C100] =	vst v63  }
0x5e: {  	s25 =	simm.s32 $0xE100  }
0x5f: {  	[tilespmem:s25], [sflag:$0x3] =	stream.indirect_vreg.gather [hbm4b:s3+s2], $0x80, v3, vm0, $0xb8;
	[tilespmem:$0x1C100] =	vst v63  }
0x60: {  	s26 =	simm.s32 $0xE900  }
0x61: {  	[tilespmem:s26], [sflag:$0x3] =	stream.indirect_vreg.gather [hbm4b:s8+s2], $0x80, v3, vm0, $0xb8;
	[tilespmem:$0x1C100] =	vst v63  }
0x62: {  	s28 =	simm.s32 $0xF100  }
0x63: {  	[tilespmem:s28], [sflag:$0x3] =	stream.indirect_vreg.gather [hbm4b:s9+s2], $0x80, v3, vm0, $0xb8;
	[tilespmem:$0x1C100] =	vst v63  }
0x64: {  	s29 =	simm.s32 $0xF900  }
0x65: {  	[tilespmem:s29], [sflag:$0x3] =	stream.indirect_vreg.gather [hbm4b:s10+s2], $0x80, v3, vm0, $0xb8;
	[tilespmem:$0x1C100] =	vst v63  }
0x66: {  	v3 =	vld [tilespmem:$0x90];
	_ =	sdelay $0x4  }
0x67: {  	v61 =	vshll.u32 v3, $0x3  }
0x68: {  	v3 =	vand.u32 $0x7, v3;
	v4 =	vand.u32 $0xFFFFFFC0, v61  }
0x69: {  	v3 =	vor.u32 v3, v4  }
0x6a: {  	v4 =	vperm.xlane v3, v0;
	_ =	sdelay $0x1  }
0x6b: {  	v4 =	vadd.s32 v1, v4;
	_ =	sdelay $0x3  }
0x6c: {  	s30 =	simm.s32 $0x10100  }
0x6d: {  	[tilespmem:s30], [sflag:$0x4] =	stream.indirect_vreg.gather [hbm4b:s3+s2], $0x80, v4, vm0, $0xb8;
	[tilespmem:$0x1C100] =	vst v63  }
0x6e: {  	s31 =	simm.s32 $0x10900;
	v3 =	vperm.xlane v3, v2  }
0x6f: {  	[tilespmem:s31], [sflag:$0x4] =	stream.indirect_vreg.gather [hbm4b:s8+s2], $0x80, v4, vm0, $0xb8;
	[tilespmem:$0x1C100] =	vst v63  }
0x70: {  	s1 =	simm.s32 $0x11100;
	v3 =	vadd.s32 v1, v3  }
0x71: {  	[tilespmem:s1], [sflag:$0x4] =	stream.indirect_vreg.gather [hbm4b:s9+s2], $0x80, v4, vm0, $0xb8;
	[tilespmem:$0x1C100] =	vst v63  }
0x72: {  	s25 =	simm.s32 $0x11900  }
0x73: {  	[tilespmem:s25], [sflag:$0x4] =	stream.indirect_vreg.gather [hbm4b:s10+s2], $0x80, v4, vm0, $0xb8;
	[tilespmem:$0x1C100] =	vst v63  }
0x74: {  	s26 =	simm.s32 $0x12100  }
0x75: {  	[tilespmem:s26], [sflag:$0x4] =	stream.indirect_vreg.gather [hbm4b:s3+s2], $0x80, v3, vm0, $0xb8;
	[tilespmem:$0x1C100] =	vst v63  }
0x76: {  	s28 =	simm.s32 $0x12900  }
0x77: {  	[tilespmem:s28], [sflag:$0x4] =	stream.indirect_vreg.gather [hbm4b:s8+s2], $0x80, v3, vm0, $0xb8;
	[tilespmem:$0x1C100] =	vst v63  }
0x78: {  	s29 =	simm.s32 $0x13100  }
0x79: {  	[tilespmem:s29], [sflag:$0x4] =	stream.indirect_vreg.gather [hbm4b:s9+s2], $0x80, v3, vm0, $0xb8;
	[tilespmem:$0x1C100] =	vst v63  }
0x7a: {  	s30 =	simm.s32 $0x13900  }
0x7b: {  	[tilespmem:s30], [sflag:$0x4] =	stream.indirect_vreg.gather [hbm4b:s10+s2], $0x80, v3, vm0, $0xb8;
	[tilespmem:$0x1C100] =	vst v63  }
0x7c: {  	_ =	swait.ge [sflag:s5], $0x4000  }
0x7d: {  	[sflag:s5] =	ssyncset.done $0x0  }
0x7e: {  	[sflag:s5] =	ssyncadd.s32 $0xFFFFC000  }
0x7f: {  	_ =	swait.ge [sflag:s6], $0x4000  }
0x80: {  	[sflag:s6] =	ssyncset.done $0x0  }
0x81: {  	[sflag:s6] =	ssyncadd.s32 $0xFFFFC000  }
0x82: {  	v3 =	vld [tilespmem:$0x20];
	_ =	sdelay $0x4  }
0x83: {  	v62 =	vshll.u32 v3, $0x3  }
0x84: {  	v3 =	vand.u32 $0x7, v3;
	v4 =	vand.u32 $0xFFFFFFC0, v62  }
0x85: {  	v3 =	vor.u32 v3, v4  }
0x86: {  	v4 =	vperm.xlane v3, v0;
	_ =	sdelay $0x1  }
0x87: {  	v4 =	vadd.s32 v1, v4;
	_ =	sdelay $0x4  }
0x88: {  	[tilespmem:s7], [sflag:$0x5] =	stream.indirect_vreg.gather [hbm4b:s3+s2], $0x80, v4, vm0, $0xb8;
	[tilespmem:$0x1C100] =	vst v63  }
0x89: {  	s31 =	simm.s32 $0x14900;
	v3 =	vperm.xlane v3, v2  }
0x8a: {  	[tilespmem:s31], [sflag:$0x5] =	stream.indirect_vreg.gather [hbm4b:s8+s2], $0x80, v4, vm0, $0xb8;
	[tilespmem:$0x1C100] =	vst v63  }
0x8b: {  	s1 =	simm.s32 $0x15100;
	v3 =	vadd.s32 v1, v3  }
0x8c: {  	[tilespmem:s1], [sflag:$0x5] =	stream.indirect_vreg.gather [hbm4b:s9+s2], $0x80, v4, vm0, $0xb8;
	[tilespmem:$0x1C100] =	vst v63  }
0x8d: {  	s25 =	simm.s32 $0x15900  }
0x8e: {  	[tilespmem:s25], [sflag:$0x5] =	stream.indirect_vreg.gather [hbm4b:s10+s2], $0x80, v4, vm0, $0xb8;
	[tilespmem:$0x1C100] =	vst v63  }
0x8f: {  	s26 =	simm.s32 $0x16100  }
0x90: {  	[tilespmem:s26], [sflag:$0x5] =	stream.indirect_vreg.gather [hbm4b:s3+s2], $0x80, v3, vm0, $0xb8;
	[tilespmem:$0x1C100] =	vst v63  }
0x91: {  	s28 =	simm.s32 $0x16900  }
0x92: {  	[tilespmem:s28], [sflag:$0x5] =	stream.indirect_vreg.gather [hbm4b:s8+s2], $0x80, v3, vm0, $0xb8;
	[tilespmem:$0x1C100] =	vst v63  }
0x93: {  	s29 =	simm.s32 $0x17100  }
0x94: {  	[tilespmem:s29], [sflag:$0x5] =	stream.indirect_vreg.gather [hbm4b:s9+s2], $0x80, v3, vm0, $0xb8;
	[tilespmem:$0x1C100] =	vst v63  }
0x95: {  	s30 =	simm.s32 $0x17900  }
0x96: {  	[tilespmem:s30], [sflag:$0x5] =	stream.indirect_vreg.gather [hbm4b:s10+s2], $0x80, v3, vm0, $0xb8;
	[tilespmem:$0x1C100] =	vst v63  }
0x97: {  	v3 =	vld [tilespmem:$0xA0];
	_ =	sdelay $0x4  }
0x98: {  	v63 =	vshll.u32 v3, $0x3  }
0x99: {  	v3 =	vand.u32 $0x7, v3;
	v4 =	vand.u32 $0xFFFFFFC0, v63  }
0x9a: {  	v3 =	vor.u32 v3, v4  }
0x9b: {  	v4 =	vperm.xlane v3, v0;
	_ =	sdelay $0x1  }
0x9c: {  	v4 =	vadd.s32 v1, v4;
	_ =	sdelay $0x3  }
0x9d: {  	s31 =	simm.s32 $0x18100  }
0x9e: {  	[tilespmem:s31], [sflag:$0x6] =	stream.indirect_vreg.gather [hbm4b:s3+s2], $0x80, v4, vm0, $0xb8;
	[tilespmem:$0x1C100] =	vst v63  }
0x9f: {  	s1 =	simm.s32 $0x18900;
	v3 =	vperm.xlane v3, v2  }
0xa0: {  	[tilespmem:s1], [sflag:$0x6] =	stream.indirect_vreg.gather [hbm4b:s8+s2], $0x80, v4, vm0, $0xb8;
	[tilespmem:$0x1C100] =	vst v63  }
0xa1: {  	s25 =	simm.s32 $0x19100;
	v3 =	vadd.s32 v1, v3  }
0xa2: {  	[tilespmem:s25], [sflag:$0x6] =	stream.indirect_vreg.gather [hbm4b:s9+s2], $0x80, v4, vm0, $0xb8;
	[tilespmem:$0x1C100] =	vst v63  }
0xa3: {  	s26 =	simm.s32 $0x19900  }
0xa4: {  	[tilespmem:s26], [sflag:$0x6] =	stream.indirect_vreg.gather [hbm4b:s10+s2], $0x80, v4, vm0, $0xb8;
	[tilespmem:$0x1C100] =	vst v63  }
0xa5: {  	s28 =	simm.s32 $0x1A100  }
0xa6: {  	[tilespmem:s28], [sflag:$0x6] =	stream.indirect_vreg.gather [hbm4b:s3+s2], $0x80, v3, vm0, $0xb8;
	[tilespmem:$0x1C100] =	vst v63  }
0xa7: {  	s29 =	simm.s32 $0x1A900  }
0xa8: {  	[tilespmem:s29], [sflag:$0x6] =	stream.indirect_vreg.gather [hbm4b:s8+s2], $0x80, v3, vm0, $0xb8;
	[tilespmem:$0x1C100] =	vst v63  }
0xa9: {  	s30 =	simm.s32 $0x1B100  }
0xaa: {  	[tilespmem:s30], [sflag:$0x6] =	stream.indirect_vreg.gather [hbm4b:s9+s2], $0x80, v3, vm0, $0xb8;
	[tilespmem:$0x1C100] =	vst v63  }
0xab: {  	s31 =	simm.s32 $0x1B900;
	s25 =	simm.s32 $0x0  }
0xac: {  	[tilespmem:s31], [sflag:$0x6] =	stream.indirect_vreg.gather [hbm4b:s10+s2], $0x80, v3, vm0, $0xb8;
	[tilespmem:$0x1C100] =	vst v63  }
.LBB2_2:
0xad: {  	s0 =	sshll.u32 s25, $0x7;
	s1 =	sshll.u32 s25, $0xA  }
0xae: {  	s28 =	simm.s32 $0x0;
	s1 =	sand.u32 $0x2000, s1;
	s26 =	sand.u32 $0x380, s0  }
0xaf: {  	s26 =	sor.u32 s1, s26;
	s1 =	sand.u32 $0x1C00, s28  }
0xb0: {  	v3 =	vld [tilespmem:s0+$0x100];
	s28 =	sand.u32 $0x70, s28;
	s1 =	sor.u32 s1, s26  }
0xb1: {  	v4 =	vld [tilespmem:s0+$0x2100];
	s28 =	sor.u32 s28, s1  }
0xb2: {  	v5 =	vld [tilespmem:s28+$0x8100]  }
0xb3: {  	v6 =	vld [tilespmem:s28+$0x4100];
	_ =	sdelay $0x4  }
0xb4: {  	s29 =	simm.s32 $0x80;
	v6 =	vmul.f32 v6, v3;
	v5 =	vmul.f32 v5, v4  }
0xb5: {  	s0 =	simm.s32 $0x10;
	s1 =	sand.u32 $0x1C00, s29  }
0xb6: {  	s30 =	simm.s32 $0x20;
	s31 =	sand.u32 $0x70, s0;
	s0 =	sor.u32 s1, s26;
	v5 =	vadd.f32 v5, v6  }
.LBB2_3:
0xb7: {  	p0 =	sne.s32 s30, $0x3F0;
	s0 =	sor.u32 s31, s0  }
0xb8: {  	v6 =	vld [tilespmem:s0+$0x8100];
	[tilespmem:s28+$0x4100] =	vst v5;
	s28 =	smov.u32 s0  }
0xb9: {  	v5 =	vld [tilespmem:s28+$0x4100];
	_ =	sdelay $0x2  }
.Ltmp0:
0xba: {  	(pc) =	sbr.rel @p0 .LBB2_3-.Ltmp0, $4  }
0xbb: {  	_ = 	snop  }
0xbc: {  	s29 =	sadd.s32 $0x80, s29;
	v6 =	vmul.f32 v6, v4;
	v5 =	vmul.f32 v5, v3  }
0xbd: {  	s0 =	sand.u32 $0x1C00, s29  }
0xbe: {  	s31 =	sand.u32 $0x70, s30;
	s30 =	sadd.s32 $0x10, s30;
	s0 =	sor.u32 s0, s26;
	v5 =	vadd.f32 v6, v5  }
0xbf: {  	s0 =	sor.u32 s31, s0  }
0xc0: {  	v6 =	vld [tilespmem:s0+$0x8100];
	[tilespmem:s28+$0x4100] =	vst v5  }
0xc1: {  	v5 =	vld [tilespmem:s0+$0x4100];
	_ =	sdelay $0x2  }
0xc2: {  	s25 =	sadd.s32 $0x1, s25  }
0xc3: {  	p0 =	sne.s32 s25, $0x10  }
.Ltmp1:
0xc4: {  	v4 =	vmul.f32 v6, v4;
	v3 =	vmul.f32 v5, v3;
	(pc) =	sbr.rel @p0 .LBB2_2-.Ltmp1, $3  }
0xc5: {  	_ = 	snop  }
0xc6: {  	v3 =	vadd.f32 v4, v3;
	_ =	sdelay $0x1  }
0xc7: {  	[tilespmem:s0+$0x4100] =	vst v3  }
0xc8: {  	s25 =	simm.s32 $0x0  }
0xc9: {  	[hbm4b:s11+s25] =	stream.linear.scatter [tilespmem:s20], [sflag:$0x7], $0x4000, $0x38;
	[tilespmem:$0x1C100] =	vst v63  }
0xca: {  	_ =	swait.ge [sflag:s12], $0x4000  }
0xcb: {  	[sflag:s12] =	ssyncset.done $0x0  }
0xcc: {  	[sflag:s12] =	ssyncadd.s32 $0xFFFFC000  }
0xcd: {  	_ =	swait.ge [sflag:s21], $0x4000  }
0xce: {  	[sflag:s21] =	ssyncset.done $0x0  }
0xcf: {  	[sflag:s21] =	ssyncadd.s32 $0xFFFFC000  }
0xd0: {  	_ =	swait.ge [sflag:s13], $0x4000  }
0xd1: {  	[sflag:s13] =	ssyncset.done $0x0  }
0xd2: {  	[sflag:s13] =	ssyncadd.s32 $0xFFFFC000  }
0xd3: {  	v3 =	vld [tilespmem:$0x30];
	_ =	sdelay $0x4  }
0xd4: {  	v4 =	vshll.u32 v3, $0x3  }
0xd5: {  	v3 =	vand.u32 $0x7, v3;
	v4 =	vand.u32 $0xFFFFFFC0, v4  }
0xd6: {  	v3 =	vor.u32 v3, v4  }
0xd7: {  	v4 =	vperm.xlane v3, v0;
	_ =	sdelay $0x1  }
0xd8: {  	v4 =	vadd.s32 v1, v4;
	_ =	sdelay $0x4  }
0xd9: {  	[tilespmem:s20], [sflag:$0x1] =	stream.indirect_vreg.gather [hbm4b:s3+s25], $0x80, v4, vm0, $0xb8;
	[tilespmem:$0x1C100] =	vst v63  }
0xda: {  	s0 =	simm.s32 $0x4900;
	v3 =	vperm.xlane v3, v2  }
0xdb: {  	[tilespmem:s0], [sflag:$0x1] =	stream.indirect_vreg.gather [hbm4b:s8+s25], $0x80, v4, vm0, $0xb8;
	[tilespmem:$0x1C100] =	vst v63  }
0xdc: {  	s26 =	simm.s32 $0x5100;
	v3 =	vadd.s32 v1, v3  }
0xdd: {  	[tilespmem:s26], [sflag:$0x1] =	stream.indirect_vreg.gather [hbm4b:s9+s25], $0x80, v4, vm0, $0xb8;
	[tilespmem:$0x1C100] =	vst v63  }
0xde: {  	s28 =	simm.s32 $0x5900  }
0xdf: {  	[tilespmem:s28], [sflag:$0x1] =	stream.indirect_vreg.gather [hbm4b:s10+s25], $0x80, v4, vm0, $0xb8;
	[tilespmem:$0x1C100] =	vst v63  }
0xe0: {  	s29 =	simm.s32 $0x6100  }
0xe1: {  	[tilespmem:s29], [sflag:$0x1] =	stream.indirect_vreg.gather [hbm4b:s3+s25], $0x80, v3, vm0, $0xb8;
	[tilespmem:$0x1C100] =	vst v63  }
0xe2: {  	s30 =	simm.s32 $0x6900  }
0xe3: {  	[tilespmem:s30], [sflag:$0x1] =	stream.indirect_vreg.gather [hbm4b:s8+s25], $0x80, v3, vm0, $0xb8;
	[tilespmem:$0x1C100] =	vst v63  }
0xe4: {  	s31 =	simm.s32 $0x7100  }
0xe5: {  	[tilespmem:s31], [sflag:$0x1] =	stream.indirect_vreg.gather [hbm4b:s9+s25], $0x80, v3, vm0, $0xb8;
	[tilespmem:$0x1C100] =	vst v63  }
0xe6: {  	s1 =	simm.s32 $0x7900  }
0xe7: {  	[tilespmem:s1], [sflag:$0x1] =	stream.indirect_vreg.gather [hbm4b:s10+s25], $0x80, v3, vm0, $0xb8;
	[tilespmem:$0x1C100] =	vst v63  }
0xe8: {  	v3 =	vld [tilespmem:$0xB0];
	_ =	sdelay $0x4  }
0xe9: {  	v63 =	vshll.u32 v3, $0x3  }
0xea: {  	v3 =	vand.u32 $0x7, v3;
	v4 =	vand.u32 $0xFFFFFFC0, v63  }
0xeb: {  	v3 =	vor.u32 v3, v4  }
0xec: {  	v4 =	vperm.xlane v3, v0;
	_ =	sdelay $0x1  }
0xed: {  	v4 =	vadd.s32 v1, v4;
	_ =	sdelay $0x3  }
0xee: {  	s26 =	simm.s32 $0x8100  }
0xef: {  	[tilespmem:s26], [sflag:$0x2] =	stream.indirect_vreg.gather [hbm4b:s3+s25], $0x80, v4, vm0, $0xb8;
	[tilespmem:$0x1C100] =	vst v63  }
0xf0: {  	s28 =	simm.s32 $0x8900;
	v3 =	vperm.xlane v3, v2  }
0xf1: {  	[tilespmem:s28], [sflag:$0x2] =	stream.indirect_vreg.gather [hbm4b:s8+s25], $0x80, v4, vm0, $0xb8;
	[tilespmem:$0x1C100] =	vst v63  }
0xf2: {  	s29 =	simm.s32 $0x9100;
	v3 =	vadd.s32 v1, v3  }
0xf3: {  	[tilespmem:s29], [sflag:$0x2] =	stream.indirect_vreg.gather [hbm4b:s9+s25], $0x80, v4, vm0, $0xb8;
	[tilespmem:$0x1C100] =	vst v63  }
0xf4: {  	s30 =	simm.s32 $0x9900  }
0xf5: {  	[tilespmem:s30], [sflag:$0x2] =	stream.indirect_vreg.gather [hbm4b:s10+s25], $0x80, v4, vm0, $0xb8;
	[tilespmem:$0x1C100] =	vst v63  }
0xf6: {  	s31 =	simm.s32 $0xA100  }
0xf7: {  	[tilespmem:s31], [sflag:$0x2] =	stream.indirect_vreg.gather [hbm4b:s3+s25], $0x80, v3, vm0, $0xb8;
	[tilespmem:$0x1C100] =	vst v63  }
0xf8: {  	_ = 	snop  }
0xf9: {  	[tilespmem:s17], [sflag:$0x2] =	stream.indirect_vreg.gather [hbm4b:s8+s25], $0x80, v3, vm0, $0xb8;
	[tilespmem:$0x1C100] =	vst v63  }
0xfa: {  	_ = 	snop  }
0xfb: {  	[tilespmem:s18], [sflag:$0x2] =	stream.indirect_vreg.gather [hbm4b:s9+s25], $0x80, v3, vm0, $0xb8;
	[tilespmem:$0x1C100] =	vst v63  }
0xfc: {  	s26 =	simm.s32 $0x0  }
0xfd: {  	[tilespmem:s19], [sflag:$0x2] =	stream.indirect_vreg.gather [hbm4b:s10+s25], $0x80, v3, vm0, $0xb8;
	[tilespmem:$0x1C100] =	vst v63  }
.LBB2_6:
0xfe: {  	s0 =	sshll.u32 s26, $0x7;
	s1 =	sshll.u32 s26, $0xA  }
0xff: {  	s1 =	sand.u32 $0x2000, s1;
	s28 =	sand.u32 $0x380, s0  }
0x100: {  	s28 =	sor.u32 s1, s28;
	s1 =	sand.u32 $0x1C00, s25  }
0x101: {  	s29 =	sand.u32 $0x70, s25;
	v3 =	vld [tilespmem:s0+$0x900];
	s1 =	sor.u32 s1, s28  }
0x102: {  	v4 =	vld [tilespmem:s0+$0x2900];
	s29 =	sor.u32 s29, s1  }
0x103: {  	v5 =	vld [tilespmem:s29+$0x10100]  }
0x104: {  	v6 =	vld [tilespmem:s29+$0xC100];
	_ =	sdelay $0x4  }
0x105: {  	s30 =	simm.s32 $0x80;
	v6 =	vmul.f32 v6, v3;
	v5 =	vmul.f32 v5, v4  }
0x106: {  	s0 =	simm.s32 $0x10;
	s1 =	sand.u32 $0x1C00, s30  }
0x107: {  	s31 =	simm.s32 $0x20;
	s0 =	sand.u32 $0x70, s0;
	s1 =	sor.u32 s1, s28;
	v5 =	vadd.f32 v5, v6  }
.LBB2_7:
0x108: {  	p0 =	sne.s32 s31, $0x3F0;
	s0 =	sor.u32 s0, s1  }
0x109: {  	v6 =	vld [tilespmem:s0+$0x10100];
	[tilespmem:s29+$0xC100] =	vst v5;
	s29 =	smov.u32 s0  }
0x10a: {  	v5 =	vld [tilespmem:s29+$0xC100];
	_ =	sdelay $0x2  }
.Ltmp2:
0x10b: {  	(pc) =	sbr.rel @p0 .LBB2_7-.Ltmp2, $4  }
0x10c: {  	_ = 	snop  }
0x10d: {  	s30 =	sadd.s32 $0x80, s30;
	v6 =	vmul.f32 v6, v4;
	v5 =	vmul.f32 v5, v3  }
0x10e: {  	s1 =	sand.u32 $0x1C00, s30  }
0x10f: {  	s0 =	sand.u32 $0x70, s31;
	s31 =	sadd.s32 $0x10, s31;
	s1 =	sor.u32 s1, s28;
	v5 =	vadd.f32 v6, v5  }
0x110: {  	s0 =	sor.u32 s0, s1  }
0x111: {  	v6 =	vld [tilespmem:s0+$0x10100];
	[tilespmem:s29+$0xC100] =	vst v5  }
0x112: {  	v5 =	vld [tilespmem:s0+$0xC100];
	_ =	sdelay $0x2  }
0x113: {  	s26 =	sadd.s32 $0x1, s26  }
0x114: {  	p0 =	sne.s32 s26, $0x10  }
.Ltmp3:
0x115: {  	v4 =	vmul.f32 v6, v4;
	v3 =	vmul.f32 v5, v3;
	(pc) =	sbr.rel @p0 .LBB2_6-.Ltmp3, $3  }
0x116: {  	_ = 	snop  }
0x117: {  	v3 =	vadd.f32 v4, v3;
	_ =	sdelay $0x1  }
0x118: {  	[tilespmem:s0+$0xC100] =	vst v3  }
0x119: {  	s25 =	simm.s32 $0x0;
	s0 =	rddreg [dreg:$0x7]  }
0x11a: {  	[hbm4b:s0+s25] =	stream.linear.scatter [tilespmem:s4], [sflag:$0x8], $0x4000, $0x38;
	[tilespmem:$0x1C100] =	vst v63  }
0x11b: {  	_ =	swait.ge [sflag:s22], $0x4000  }
0x11c: {  	[sflag:s22] =	ssyncset.done $0x0  }
0x11d: {  	[sflag:s22] =	ssyncadd.s32 $0xFFFFC000  }
0x11e: {  	_ =	swait.ge [sflag:s14], $0x4000  }
0x11f: {  	[sflag:s14] =	ssyncset.done $0x0  }
0x120: {  	s26 =	simm.s32 $0x0;
	[sflag:s14] =	ssyncadd.s32 $0xFFFFC000  }
.LBB2_10:
0x121: {  	s0 =	sshll.u32 s26, $0x7;
	s1 =	sshll.u32 s26, $0xA  }
0x122: {  	s1 =	sand.u32 $0x2000, s1;
	s28 =	sand.u32 $0x380, s0  }
0x123: {  	s28 =	sor.u32 s1, s28;
	s1 =	sand.u32 $0x1C00, s25  }
0x124: {  	s29 =	sand.u32 $0x70, s25;
	v3 =	vld [tilespmem:s0+$0x1100];
	s1 =	sor.u32 s1, s28  }
0x125: {  	v4 =	vld [tilespmem:s0+$0x3100];
	s29 =	sor.u32 s29, s1  }
0x126: {  	v5 =	vld [tilespmem:s29+$0x18100]  }
0x127: {  	v6 =	vld [tilespmem:s29+$0x14100];
	_ =	sdelay $0x4  }
0x128: {  	s30 =	simm.s32 $0x80;
	v6 =	vmul.f32 v6, v3;
	v5 =	vmul.f32 v5, v4  }
0x129: {  	s0 =	simm.s32 $0x10;
	s1 =	sand.u32 $0x1C00, s30  }
0x12a: {  	s31 =	simm.s32 $0x20;
	s0 =	sand.u32 $0x70, s0;
	s1 =	sor.u32 s1, s28;
	v5 =	vadd.f32 v5, v6  }
.LBB2_11:
0x12b: {  	p0 =	sne.s32 s31, $0x3F0;
	s0 =	sor.u32 s0, s1  }
0x12c: {  	v6 =	vld [tilespmem:s0+$0x18100];
	[tilespmem:s29+$0x14100] =	vst v5;
	s29 =	smov.u32 s0  }
0x12d: {  	v5 =	vld [tilespmem:s29+$0x14100];
	_ =	sdelay $0x2  }
.Ltmp4:
0x12e: {  	(pc) =	sbr.rel @p0 .LBB2_11-.Ltmp4, $4  }
0x12f: {  	_ = 	snop  }
0x130: {  	s30 =	sadd.s32 $0x80, s30;
	v6 =	vmul.f32 v6, v4;
	v5 =	vmul.f32 v5, v3  }
0x131: {  	s1 =	sand.u32 $0x1C00, s30  }
0x132: {  	s0 =	sand.u32 $0x70, s31;
	s31 =	sadd.s32 $0x10, s31;
	s1 =	sor.u32 s1, s28;
	v5 =	vadd.f32 v6, v5  }
0x133: {  	s0 =	sor.u32 s0, s1  }
0x134: {  	v6 =	vld [tilespmem:s0+$0x18100];
	[tilespmem:s29+$0x14100] =	vst v5  }
0x135: {  	v5 =	vld [tilespmem:s0+$0x14100];
	_ =	sdelay $0x2  }
0x136: {  	s26 =	sadd.s32 $0x1, s26  }
0x137: {  	p0 =	sne.s32 s26, $0x10  }
.Ltmp5:
0x138: {  	v4 =	vmul.f32 v6, v4;
	v3 =	vmul.f32 v5, v3;
	(pc) =	sbr.rel @p0 .LBB2_10-.Ltmp5, $3  }
0x139: {  	_ = 	snop  }
0x13a: {  	v3 =	vadd.f32 v4, v3;
	_ =	sdelay $0x1  }
0x13b: {  	[tilespmem:s0+$0x14100] =	vst v3  }
0x13c: {  	s25 =	simm.s32 $0x0;
	s0 =	rddreg [dreg:$0x8]  }
0x13d: {  	[hbm4b:s0+s25] =	stream.linear.scatter [tilespmem:s7], [sflag:$0x9], $0x4000, $0x38;
	[tilespmem:$0x1C100] =	vst v63  }
0x13e: {  	_ =	swait.ge [sflag:s5], $0x4000  }
0x13f: {  	[sflag:s5] =	ssyncset.done $0x0  }
0x140: {  	[sflag:s5] =	ssyncadd.s32 $0xFFFFC000  }
0x141: {  	_ =	swait.ge [sflag:s6], $0x4000  }
0x142: {  	[sflag:s6] =	ssyncset.done $0x0  }
0x143: {  	s26 =	simm.s32 $0x0;
	[sflag:s6] =	ssyncadd.s32 $0xFFFFC000  }
.LBB2_14:
0x144: {  	s0 =	sshll.u32 s26, $0x7;
	s1 =	sshll.u32 s26, $0xA  }
0x145: {  	s1 =	sand.u32 $0x2000, s1;
	s28 =	sand.u32 $0x380, s0  }
0x146: {  	s28 =	sor.u32 s1, s28;
	s1 =	sand.u32 $0x1C00, s25  }
0x147: {  	s29 =	sand.u32 $0x70, s25;
	v3 =	vld [tilespmem:s0+$0x1900];
	s1 =	sor.u32 s1, s28  }
0x148: {  	v4 =	vld [tilespmem:s0+$0x3900];
	s29 =	sor.u32 s29, s1  }
0x149: {  	v5 =	vld [tilespmem:s29+$0x8100]  }
0x14a: {  	v6 =	vld [tilespmem:s29+$0x4100];
	_ =	sdelay $0x4  }
0x14b: {  	s30 =	simm.s32 $0x80;
	v6 =	vmul.f32 v6, v3;
	v5 =	vmul.f32 v5, v4  }
0x14c: {  	s0 =	simm.s32 $0x10;
	s1 =	sand.u32 $0x1C00, s30  }
0x14d: {  	s31 =	simm.s32 $0x20;
	s0 =	sand.u32 $0x70, s0;
	s1 =	sor.u32 s1, s28;
	v5 =	vadd.f32 v5, v6  }
.LBB2_15:
0x14e: {  	p0 =	sne.s32 s31, $0x3F0;
	s0 =	sor.u32 s0, s1  }
0x14f: {  	v6 =	vld [tilespmem:s0+$0x8100];
	[tilespmem:s29+$0x4100] =	vst v5;
	s29 =	smov.u32 s0  }
0x150: {  	v5 =	vld [tilespmem:s29+$0x4100];
	_ =	sdelay $0x2  }
.Ltmp6:
0x151: {  	(pc) =	sbr.rel @p0 .LBB2_15-.Ltmp6, $4  }
0x152: {  	_ = 	snop  }
0x153: {  	s30 =	sadd.s32 $0x80, s30;
	v6 =	vmul.f32 v6, v4;
	v5 =	vmul.f32 v5, v3  }
0x154: {  	s1 =	sand.u32 $0x1C00, s30  }
0x155: {  	s0 =	sand.u32 $0x70, s31;
	s31 =	sadd.s32 $0x10, s31;
	s1 =	sor.u32 s1, s28;
	v5 =	vadd.f32 v6, v5  }
0x156: {  	s0 =	sor.u32 s0, s1  }
0x157: {  	v6 =	vld [tilespmem:s0+$0x8100];
	[tilespmem:s29+$0x4100] =	vst v5  }
0x158: {  	v5 =	vld [tilespmem:s0+$0x4100];
	_ =	sdelay $0x2  }
0x159: {  	s26 =	sadd.s32 $0x1, s26  }
0x15a: {  	p0 =	sne.s32 s26, $0x10  }
.Ltmp7:
0x15b: {  	v4 =	vmul.f32 v6, v4;
	v3 =	vmul.f32 v5, v3;
	(pc) =	sbr.rel @p0 .LBB2_14-.Ltmp7, $3  }
0x15c: {  	_ = 	snop  }
0x15d: {  	v3 =	vadd.f32 v4, v3;
	_ =	sdelay $0x1  }
0x15e: {  	[tilespmem:s0+$0x4100] =	vst v3  }
0x15f: {  	s0 =	rddreg [dreg:$0x9]  }
0x160: {  	[hbm4b:s0+s2] =	stream.linear.scatter [tilespmem:s20], [sflag:$0x7], $0x4000, $0x38;
	[tilespmem:$0x1C100] =	vst v63  }
0x161: {  	_ =	swait.ge [sflag:s23], $0x4000  }
0x162: {  	[sflag:s23] =	ssyncset.done $0x0  }
0x163: {  	[sflag:s23] =	ssyncadd.s32 $0xFFFFC000  }
0x164: {  	_ =	swait.ge [sflag:s15], $0x4000  }
0x165: {  	[sflag:s15] =	ssyncset.done $0x0  }
0x166: {  	[sflag:s15] =	ssyncadd.s32 $0xFFFFC000  }
0x167: {  	_ =	swait.ge [sflag:s13], $0x4000  }
0x168: {  	s24 =	sadd.s32 $0x1, s24;
	s31 =	rddreg [dreg:$0xa]  }
0x169: {  	p0 =	sne.s32 s24, s31  }
.Ltmp8:
0x16a: {  	_ = 	snop;
	(pc) =	sbr.rel @p0 .LBB2_1-.Ltmp8, $3  }
0x16b: {  	_ =	sdelay $0x1  }
0x16c: {  	[sflag:s13] =	ssyncset.done $0x0  }
0x16d: {  	[sflag:s13] =	ssyncadd.s32 $0xFFFFC000  }
0x16e: {  	_ =	sfence.sel $0x180000  }
0x16f: {  	[bflag:$0x0] =	sbarrier.arrive $0xFFFF  }
0x170: {  	_ =	strace $0x9000004A  }
0x171: {  	s0 =	stileid.u32;
	[bflag:$0x2] =	sbarrier.arrive $0xFFFF  }
0x172: {  	p0 =	sne.s32 s0, $0x0;
	s0 =	rddreg [dreg:$0x2]  }
0x173: {  	s0 =	sadd.s32 @!p0 $0x100000, s0  }
0x174: {  	[sflag:s0] =	ssyncadd.tile.s32 @!p0 $0x1;
	_ =	shalt  }
.Lfunc_end2:
_tile_overlayer_lowered:
.L_overlay_start_2:
0x175: {  	(tag) =	ssettag $0x2  }
0x176: {  	s0 =	rddreg [dreg:$0x0];
	s2 =	stileid.u32  }
0x177: {  	s1 =	rddreg [dreg:$0x1];
	p0 =	sne.s32 s2, $0x0  }
0x178: {  	s3 =	rddreg [dreg:$0x2];
	[bflag:$0x3] =	sbarrier.arrive $0xFFFF;
	s2 =	simm.s32 @!p0 $0x1C0A  }
0x179: {  	[timem:s3], [sflag:s2] =	dma.local @!p0 [hbm:s0], s1  }
0x17a: {  	s0 =	simm.s32 @!p0 $0xA  }
0x17b: {  	_ =	swait.ge @!p0 [sflag:s0], s1  }
0x17c: {  	s1 =	ssub.s32 @!p0 $0x0, s1;
	[sflag:s0] =	ssyncset.done @!p0 $0x0  }
0x17d: {  	[sflag:s0] =	ssyncadd.s32 @!p0 s1  }
0x17e: {  	[bflag:$0x3] =	sbarrier.arrive $0xFFFF  }
0x17f: {  	_ =	shalt  }

</sc_bundles>
